<compile_context>
chip_gen: v7x
topology: tpu7x:2x2x1
jax: 0.10.2.dev20260603
libtpu: 0.0.44.dev20260713+nightly
codegen_flags: <defaults>
</compile_context>

<pallas_src>
import functools

import jax
import jax.numpy as jnp
from jax import lax
from jax.experimental import pallas as pl
from jax.experimental.pallas import tpu as pltpu
from jax.experimental.pallas import tpu_sc as plsc

TIME_MAX = 10000
EMBED = 64
LANES = 16
BLK = 128


def _make_kernel(n_batch: int, seq_len: int, n_workers: int):
    n_blk = n_batch // BLK
    assert n_blk == n_workers
    mesh = plsc.VectorSubcoreMesh(core_axis_name="c", subcore_axis_name="s")

    @functools.partial(
        pl.kernel,
        out_type=jax.ShapeDtypeStruct(
            (seq_len, EMBED // 8, n_blk, 8, BLK), jnp.float32),
        mesh=mesh,
        scratch_types=[
            pltpu.VMEM((seq_len // 8, 8, BLK), jnp.int32),
            pltpu.VMEM((seq_len // 8, 8, BLK), jnp.int32),
            pltpu.VMEM((2, BLK, EMBED), jnp.float32),
            pltpu.VMEM((2, BLK, EMBED), jnp.float32),
            pltpu.VMEM((2, EMBED // 8, 8, BLK + 1), jnp.float32),
            pltpu.VMEM((seq_len, EMBED), jnp.float32),
            pltpu.SemaphoreType.DMA,
            pltpu.SemaphoreType.DMA,
            pltpu.SemaphoreType.DMA,
            pltpu.SemaphoreType.DMA,
        ],
        compiler_params=pltpu.CompilerParams(use_tc_tiling_on_sc=False,
                                             needs_layout_passes=False),
    )
    def kern(time_hbm, event_hbm, tt_hbm, et_hbm, pt_hbm, out_hbm,
             idx_t, idx_e, buf_t, buf_e, obuf, pos_v,
             sem_g0, sem_g1, sem_o0, sem_o1):
        n_cores = lax.axis_size("c")
        wid = lax.axis_index("s") * n_cores + lax.axis_index("c")

        sem_g = (sem_g0, sem_g1)
        sem_o = (sem_o0, sem_o1)

        pltpu.sync_copy(pt_hbm.at[pl.ds(0, seq_len)], pos_v)
        pltpu.sync_copy(time_hbm.at[:, wid], idx_t)
        pltpu.sync_copy(event_hbm.at[:, wid], idx_e)

        def clamp(ll):
            lb = ll >> 3
            li = ll & 7
            for j in range(BLK // LANES):
                sl = pl.ds(j * LANES, LANES)
                idx_t[lb, li, sl] = jnp.minimum(idx_t[lb, li, sl], TIME_MAX)

        def start_gathers(ll, b):
            lb = ll >> 3
            li = ll & 7
            pltpu.async_copy(tt_hbm.at[idx_t.at[lb, li]],
                             buf_t.at[b], sem_g[b])
            pltpu.async_copy(et_hbm.at[idx_e.at[lb, li]],
                             buf_e.at[b], sem_g[b])

        def wait_gathers(b):
            pltpu.make_async_copy(tt_hbm.at[idx_t.at[0, 0]],
                                  buf_t.at[b], sem_g[b]).wait()
            pltpu.make_async_copy(et_hbm.at[idx_e.at[0, 0]],
                                  buf_e.at[b], sem_g[b]).wait()

        def wait_out(b):
            pltpu.make_async_copy(obuf.at[b, :, :, pl.ds(0, BLK)],
                                  out_hbm.at[0, :, 0], sem_o[b]).wait()

        lane = lax.iota(jnp.int32, LANES)
        eb_vecs = [(lane + q * LANES) >> 3 for q in range(EMBED // LANES)]
        ei_vecs = [(lane + q * LANES) & 7 for q in range(EMBED // LANES)]

        clamp(0)
        start_gathers(0, 0)

        @pl.loop(0, seq_len, step=2)
        def _pair(k):
            for b in (0, 1):
                ll = k + b
                ob = 1 - b
                nxt = ll + 1

                @pl.when(nxt < seq_len)
                def _():
                    clamp(nxt)
                    start_gathers(nxt, ob)

                wait_gathers(b)

                @pl.when(ll >= 2)
                def _():
                    wait_out(b)

                pvs = [pos_v[ll, pl.ds(q * LANES, LANES)]
                       for q in range(EMBED // LANES)]

                @plsc.parallel_loop(0, BLK, unroll=4)
                def _row(r):
                    cb = jnp.broadcast_to(r, (LANES,)).astype(jnp.int32)
                    for q in range(EMBED // LANES):
                        sl = pl.ds(q * LANES, LANES)
                        v = buf_t[b, r, sl] + buf_e[b, r, sl] + pvs[q]
                        plsc.store_scatter(obuf.at[b],
                                           [eb_vecs[q], ei_vecs[q], cb], v)

                pltpu.async_copy(obuf.at[b, :, :, pl.ds(0, BLK)],
                                 out_hbm.at[ll, :, wid], sem_o[b])

        wait_out(0)
        wait_out(1)

    return kern


@jax.jit
def kernel(time, event, time_table, event_table, pos_table):
    b, l = event.shape
    info = plsc.get_sparse_core_info()
    n_workers = info.num_cores * info.num_subcores

    def tiled_view(x):
        return (x.astype(jnp.int32).T
                .reshape(l // 8, 8, b // BLK, BLK).transpose(0, 2, 1, 3))

    kern = _make_kernel(b, l, n_workers)
    x5 = kern(tiled_view(time), tiled_view(event),
              time_table, event_table, pos_table)
    return x5.transpose(2, 4, 0, 1, 3).reshape(b, l, EMBED)

# --- scband reference (transcript-rebuilt; emitter-appended) ---
"""Pipeline reference for scband-uberl-embedding-66743791779948 (READ-ONLY COPY).

The authoritative reference and input builder live on the scoring server;
editing this copy changes nothing except your own understanding.
"""

import jax, jax.numpy as jnp
import numpy as np

TIME_EMBED_NUM = 10000
MAX_EVENT_NUM = 100000
MAX_LEN = 200
EMBED = 64
B, L = 4096, 200


def setup_inputs(seed: int = 0) -> dict:
    key = jax.random.key(seed)
    k1, k2, k3, k4, k5 = jax.random.split(key, 5)
    time = jax.random.randint(k1, (B, L), 0, TIME_EMBED_NUM + 2, dtype=jnp.int64) if jax.config.read('jax_enable_x64') else jax.random.randint(k1, (B, L), 0, TIME_EMBED_NUM + 2, dtype=jnp.int32)
    event = jax.random.randint(k2, (B, L), 0, MAX_EVENT_NUM, dtype=jnp.int32)
    # learned parameters sized per init_kwargs
    time_table = jax.random.normal(k3, (TIME_EMBED_NUM + 4, EMBED), dtype=jnp.float32) * 0.02
    event_table = jax.random.normal(k4, (MAX_EVENT_NUM + 3, EMBED), dtype=jnp.float32) * 0.02
    pos_table = jax.random.normal(k5, (MAX_LEN + 2, EMBED), dtype=jnp.float32) * 0.02
    return {"time": time, "event": event, "time_table": time_table, "event_table": event_table, "pos_table": pos_table}


def reference(time, event, time_table, event_table, pos_table):
    # data['time'][data['time'] > time_embed_num] = time_embed_num
    t = jnp.where(time > TIME_EMBED_NUM, TIME_EMBED_NUM, time)
    seq_len = event.shape[1]
    # timestamp embedding + event embedding + positional embedding
    x = (jnp.take(time_table, t, axis=0)
         + jnp.take(event_table, event, axis=0)
         + pos_table[:seq_len][None, :, :])
    # dropout is identity in eval/inference mode
    return x

if __name__ == "__main__":
    import jax
    _d = setup_inputs()
    print(jax.jit(kernel)(*tuple(_d.values())))

</pallas_src>

<mosaic_0001>
#map = affine_map<(d0, d1) -> (0, 0, 0, 0)>
#map1 = affine_map<(d0, d1) -> (0, 0)>
#map2 = affine_map<(d0, d1) -> (0, 0, 0, 0, 0)>
module attributes {stable_mosaic.version = 14 : i64} {
  func.func @kern(%arg0: i32, %arg1: i32, %arg2: memref<25x32x8x128xi32, #tpu.memory_space<hbm>>, %arg3: memref<25x32x8x128xi32, #tpu.memory_space<hbm>>, %arg4: memref<10004x64xf32, #tpu.memory_space<hbm>>, %arg5: memref<100003x64xf32, #tpu.memory_space<hbm>>, %arg6: memref<202x64xf32, #tpu.memory_space<hbm>>, %arg7: memref<200x8x32x8x128xf32, #tpu.memory_space<hbm>>, %arg8: memref<25x8x128xi32, #tpu.memory_space<vmem>>, %arg9: memref<25x8x128xi32, #tpu.memory_space<vmem>>, %arg10: memref<2x128x64xf32, #tpu.memory_space<vmem>>, %arg11: memref<2x128x64xf32, #tpu.memory_space<vmem>>, %arg12: memref<2x8x8x129xf32, #tpu.memory_space<vmem>>, %arg13: memref<200x64xf32, #tpu.memory_space<vmem>>, %arg14: memref<!tpu.dma_semaphore, #tpu.memory_space<semaphore_mem>>, %arg15: memref<!tpu.dma_semaphore, #tpu.memory_space<semaphore_mem>>, %arg16: memref<!tpu.dma_semaphore, #tpu.memory_space<semaphore_mem>>, %arg17: memref<!tpu.dma_semaphore, #tpu.memory_space<semaphore_mem>>) attributes {dimension_semantics = [#tpu.dimension_semantics<core_parallel>, #tpu.dimension_semantics<subcore_parallel>], iteration_bounds = array<i64: 2, 16>, scalar_prefetch = 0 : i64, scratch_operands = 10 : i64, tpu.core_type = #tpu.core_type<sc_vector_subcore>, window_params = [{transform_indices = #map}, {transform_indices = #map}, {transform_indices = #map1}, {transform_indices = #map1}, {transform_indices = #map1}, {transform_indices = #map2}]} {
    %mul3A = arith.constant 2 : i32
    %mul3A_0 = arith.muli %arg1, %mul3A : i32
    %add3A = arith.addi %mul3A_0, %arg0 : i32
    "tpu.region"() ({
      %run_scoped3A = tpu.sem_alloc : memref<!tpu.dma_semaphore, #tpu.memory_space<semaphore_mem>>
      %dma_start3A_238 = arith.constant 0 : i32
      %dma_start3A_239 = arith.constant 0 : i32
      %dma_start3A_240 = tpu.memref_slice %arg6[%dma_start3A_238, %dma_start3A_239] : memref<202x64xf32, #tpu.memory_space<hbm>> -> memref<200x64xf32, #tpu.memory_space<hbm>>
      %dma_start3A_241 = arith.constant 0 : i32
      %dma_start3A_242 = arith.constant 0 : i32
      %dma_start3A_243 = tpu.memref_slice %arg6[%dma_start3A_241, %dma_start3A_242] : memref<202x64xf32, #tpu.memory_space<hbm>> -> memref<200x64xf32, #tpu.memory_space<hbm>>
      tpu.enqueue_dma source(%dma_start3A_243 : memref<200x64xf32, #tpu.memory_space<hbm>>) target(%arg13 : memref<200x64xf32, #tpu.memory_space<vmem>>) target_semaphore(%run_scoped3A : memref<!tpu.dma_semaphore, #tpu.memory_space<semaphore_mem>>)
      %dma_wait3A_244 = arith.constant 0 : i32
      %dma_wait3A_245 = arith.constant 0 : i32
      %dma_wait3A_246 = tpu.memref_slice %arg6[%dma_wait3A_244, %dma_wait3A_245] : memref<202x64xf32, #tpu.memory_space<hbm>> -> memref<200x64xf32, #tpu.memory_space<hbm>>
      %dma_wait3A_247 = arith.constant 0 : i32
      %dma_wait3A_248 = arith.constant 0 : i32
      %dma_wait3A_249 = tpu.memref_slice %arg6[%dma_wait3A_247, %dma_wait3A_248] : memref<202x64xf32, #tpu.memory_space<hbm>> -> memref<200x64xf32, #tpu.memory_space<hbm>>
      tpu.wait_dma2 semaphore(%run_scoped3A : memref<!tpu.dma_semaphore, #tpu.memory_space<semaphore_mem>>) src(%dma_wait3A_249 : memref<200x64xf32, #tpu.memory_space<hbm>>) dst(%arg13 : memref<200x64xf32, #tpu.memory_space<vmem>>)
      tpu.yield
    }) : () -> ()
    "tpu.region"() ({
      %run_scoped3A = tpu.sem_alloc : memref<!tpu.dma_semaphore, #tpu.memory_space<semaphore_mem>>
      %dma_start3A_238 = arith.constant 0 : i32
      %dma_start3A_239 = arith.constant 0 : i32
      %dma_start3A_240 = arith.constant 0 : i32
      %dma_start3A_241 = tpu.memref_slice %arg2[%dma_start3A_238, %add3A, %dma_start3A_239, %dma_start3A_240] : memref<25x32x8x128xi32, #tpu.memory_space<hbm>> -> memref<25x1x8x128xi32, #tpu.memory_space<hbm>>
      %dma_start3A_242 = tpu.memref_squeeze %dma_start3A_241 : memref<25x1x8x128xi32, #tpu.memory_space<hbm>> -> memref<25x8x128xi32, #tpu.memory_space<hbm>>
      %dma_start3A_243 = arith.constant 0 : i32
      %dma_start3A_244 = arith.constant 0 : i32
      %dma_start3A_245 = arith.constant 0 : i32
      %dma_start3A_246 = tpu.memref_slice %arg2[%dma_start3A_243, %add3A, %dma_start3A_244, %dma_start3A_245] : memref<25x32x8x128xi32, #tpu.memory_space<hbm>> -> memref<25x1x8x128xi32, #tpu.memory_space<hbm>>
      %dma_start3A_247 = tpu.memref_squeeze %dma_start3A_246 : memref<25x1x8x128xi32, #tpu.memory_space<hbm>> -> memref<25x8x128xi32, #tpu.memory_space<hbm>>
      tpu.enqueue_dma source(%dma_start3A_247 : memref<25x8x128xi32, #tpu.memory_space<hbm>>) target(%arg8 : memref<25x8x128xi32, #tpu.memory_space<vmem>>) target_semaphore(%run_scoped3A : memref<!tpu.dma_semaphore, #tpu.memory_space<semaphore_mem>>)
      %dma_wait3A_248 = arith.constant 0 : i32
      %dma_wait3A_249 = arith.constant 0 : i32
      %dma_wait3A_250 = arith.constant 0 : i32
      %dma_wait3A_251 = tpu.memref_slice %arg2[%dma_wait3A_248, %add3A, %dma_wait3A_249, %dma_wait3A_250] : memref<25x32x8x128xi32, #tpu.memory_space<hbm>> -> memref<25x1x8x128xi32, #tpu.memory_space<hbm>>
      %dma_wait3A_252 = tpu.memref_squeeze %dma_wait3A_251 : memref<25x1x8x128xi32, #tpu.memory_space<hbm>> -> memref<25x8x128xi32, #tpu.memory_space<hbm>>
      %dma_wait3A_253 = arith.constant 0 : i32
      %dma_wait3A_254 = arith.constant 0 : i32
      %dma_wait3A_255 = arith.constant 0 : i32
      %dma_wait3A_256 = tpu.memref_slice %arg2[%dma_wait3A_253, %add3A, %dma_wait3A_254, %dma_wait3A_255] : memref<25x32x8x128xi32, #tpu.memory_space<hbm>> -> memref<25x1x8x128xi32, #tpu.memory_space<hbm>>
      %dma_wait3A_257 = tpu.memref_squeeze %dma_wait3A_256 : memref<25x1x8x128xi32, #tpu.memory_space<hbm>> -> memref<25x8x128xi32, #tpu.memory_space<hbm>>
      tpu.wait_dma2 semaphore(%run_scoped3A : memref<!tpu.dma_semaphore, #tpu.memory_space<semaphore_mem>>) src(%dma_wait3A_257 : memref<25x8x128xi32, #tpu.memory_space<hbm>>) dst(%arg8 : memref<25x8x128xi32, #tpu.memory_space<vmem>>)
      tpu.yield
    }) : () -> ()
    "tpu.region"() ({
      %run_scoped3A = tpu.sem_alloc : memref<!tpu.dma_semaphore, #tpu.memory_space<semaphore_mem>>
      %dma_start3A_238 = arith.constant 0 : i32
      %dma_start3A_239 = arith.constant 0 : i32
      %dma_start3A_240 = arith.constant 0 : i32
      %dma_start3A_241 = tpu.memref_slice %arg3[%dma_start3A_238, %add3A, %dma_start3A_239, %dma_start3A_240] : memref<25x32x8x128xi32, #tpu.memory_space<hbm>> -> memref<25x1x8x128xi32, #tpu.memory_space<hbm>>
      %dma_start3A_242 = tpu.memref_squeeze %dma_start3A_241 : memref<25x1x8x128xi32, #tpu.memory_space<hbm>> -> memref<25x8x128xi32, #tpu.memory_space<hbm>>
      %dma_start3A_243 = arith.constant 0 : i32
      %dma_start3A_244 = arith.constant 0 : i32
      %dma_start3A_245 = arith.constant 0 : i32
      %dma_start3A_246 = tpu.memref_slice %arg3[%dma_start3A_243, %add3A, %dma_start3A_244, %dma_start3A_245] : memref<25x32x8x128xi32, #tpu.memory_space<hbm>> -> memref<25x1x8x128xi32, #tpu.memory_space<hbm>>
      %dma_start3A_247 = tpu.memref_squeeze %dma_start3A_246 : memref<25x1x8x128xi32, #tpu.memory_space<hbm>> -> memref<25x8x128xi32, #tpu.memory_space<hbm>>
      tpu.enqueue_dma source(%dma_start3A_247 : memref<25x8x128xi32, #tpu.memory_space<hbm>>) target(%arg9 : memref<25x8x128xi32, #tpu.memory_space<vmem>>) target_semaphore(%run_scoped3A : memref<!tpu.dma_semaphore, #tpu.memory_space<semaphore_mem>>)
      %dma_wait3A_248 = arith.constant 0 : i32
      %dma_wait3A_249 = arith.constant 0 : i32
      %dma_wait3A_250 = arith.constant 0 : i32
      %dma_wait3A_251 = tpu.memref_slice %arg3[%dma_wait3A_248, %add3A, %dma_wait3A_249, %dma_wait3A_250] : memref<25x32x8x128xi32, #tpu.memory_space<hbm>> -> memref<25x1x8x128xi32, #tpu.memory_space<hbm>>
      %dma_wait3A_252 = tpu.memref_squeeze %dma_wait3A_251 : memref<25x1x8x128xi32, #tpu.memory_space<hbm>> -> memref<25x8x128xi32, #tpu.memory_space<hbm>>
      %dma_wait3A_253 = arith.constant 0 : i32
      %dma_wait3A_254 = arith.constant 0 : i32
      %dma_wait3A_255 = arith.constant 0 : i32
      %dma_wait3A_256 = tpu.memref_slice %arg3[%dma_wait3A_253, %add3A, %dma_wait3A_254, %dma_wait3A_255] : memref<25x32x8x128xi32, #tpu.memory_space<hbm>> -> memref<25x1x8x128xi32, #tpu.memory_space<hbm>>
      %dma_wait3A_257 = tpu.memref_squeeze %dma_wait3A_256 : memref<25x1x8x128xi32, #tpu.memory_space<hbm>> -> memref<25x8x128xi32, #tpu.memory_space<hbm>>
      tpu.wait_dma2 semaphore(%run_scoped3A : memref<!tpu.dma_semaphore, #tpu.memory_space<semaphore_mem>>) src(%dma_wait3A_257 : memref<25x8x128xi32, #tpu.memory_space<hbm>>) dst(%arg9 : memref<25x8x128xi32, #tpu.memory_space<vmem>>)
      tpu.yield
    }) : () -> ()
    %iota3A = tpu.iota {dimensions = array<i32: 0>} : vector<16xi32>
    %add3A_1 = arith.constant 0 : i32
    %add3A_2 = vector.broadcast %add3A_1 : i32 to vector<16xi32>
    %add3A_3 = arith.addi %iota3A, %add3A_2 : vector<16xi32>
    %shift_right_arithmetic3A = arith.constant 3 : i32
    %shift_right_arithmetic3A_4 = vector.broadcast %shift_right_arithmetic3A : i32 to vector<16xi32>
    %shift_right_arithmetic3A_5 = arith.shrsi %add3A_3, %shift_right_arithmetic3A_4 : vector<16xi32>
    %add3A_6 = arith.constant 16 : i32
    %add3A_7 = vector.broadcast %add3A_6 : i32 to vector<16xi32>
    %add3A_8 = arith.addi %iota3A, %add3A_7 : vector<16xi32>
    %shift_right_arithmetic3A_9 = arith.constant 3 : i32
    %shift_right_arithmetic3A_10 = vector.broadcast %shift_right_arithmetic3A_9 : i32 to vector<16xi32>
    %shift_right_arithmetic3A_11 = arith.shrsi %add3A_8, %shift_right_arithmetic3A_10 : vector<16xi32>
    %add3A_12 = arith.constant 32 : i32
    %add3A_13 = vector.broadcast %add3A_12 : i32 to vector<16xi32>
    %add3A_14 = arith.addi %iota3A, %add3A_13 : vector<16xi32>
    %shift_right_arithmetic3A_15 = arith.constant 3 : i32
    %shift_right_arithmetic3A_16 = vector.broadcast %shift_right_arithmetic3A_15 : i32 to vector<16xi32>
    %shift_right_arithmetic3A_17 = arith.shrsi %add3A_14, %shift_right_arithmetic3A_16 : vector<16xi32>
    %add3A_18 = arith.constant 48 : i32
    %add3A_19 = vector.broadcast %add3A_18 : i32 to vector<16xi32>
    %add3A_20 = arith.addi %iota3A, %add3A_19 : vector<16xi32>
    %shift_right_arithmetic3A_21 = arith.constant 3 : i32
    %shift_right_arithmetic3A_22 = vector.broadcast %shift_right_arithmetic3A_21 : i32 to vector<16xi32>
    %shift_right_arithmetic3A_23 = arith.shrsi %add3A_20, %shift_right_arithmetic3A_22 : vector<16xi32>
    %add3A_24 = arith.constant 0 : i32
    %add3A_25 = vector.broadcast %add3A_24 : i32 to vector<16xi32>
    %add3A_26 = arith.addi %iota3A, %add3A_25 : vector<16xi32>
    %and3A = arith.constant 7 : i32
    %and3A_27 = vector.broadcast %and3A : i32 to vector<16xi32>
    %and3A_28 = arith.andi %add3A_26, %and3A_27 : vector<16xi32>
    %add3A_29 = arith.constant 16 : i32
    %add3A_30 = vector.broadcast %add3A_29 : i32 to vector<16xi32>
    %add3A_31 = arith.addi %iota3A, %add3A_30 : vector<16xi32>
    %and3A_32 = arith.constant 7 : i32
    %and3A_33 = vector.broadcast %and3A_32 : i32 to vector<16xi32>
    %and3A_34 = arith.andi %add3A_31, %and3A_33 : vector<16xi32>
    %add3A_35 = arith.constant 32 : i32
    %add3A_36 = vector.broadcast %add3A_35 : i32 to vector<16xi32>
    %add3A_37 = arith.addi %iota3A, %add3A_36 : vector<16xi32>
    %and3A_38 = arith.constant 7 : i32
    %and3A_39 = vector.broadcast %and3A_38 : i32 to vector<16xi32>
    %and3A_40 = arith.andi %add3A_37, %and3A_39 : vector<16xi32>
    %add3A_41 = arith.constant 48 : i32
    %add3A_42 = vector.broadcast %add3A_41 : i32 to vector<16xi32>
    %add3A_43 = arith.addi %iota3A, %add3A_42 : vector<16xi32>
    %and3A_44 = arith.constant 7 : i32
    %and3A_45 = vector.broadcast %and3A_44 : i32 to vector<16xi32>
    %and3A_46 = arith.andi %add3A_43, %and3A_45 : vector<16xi32>
    %get3A = arith.constant 0 : i32
    %get3A_47 = arith.constant 0 : i32
    %get3A_48 = arith.index_cast %get3A : i32 to index
    %get3A_49 = arith.index_cast %get3A_47 : i32 to index
    %get3A_50 = arith.constant 0 : index
    %get3A_51 = tpu.vector_load %arg8[%get3A_48, %get3A_49, %get3A_50] {strides = array<i32>} : memref<25x8x128xi32, #tpu.memory_space<vmem>>, vector<16xi32>,
    %min3A = arith.constant 10000 : i32
    %min3A_52 = vector.broadcast %min3A : i32 to vector<16xi32>
    %min3A_53 = arith.minsi %get3A_51, %min3A_52 : vector<16xi32>
    %swap3A = arith.constant 0 : i32
    %swap3A_54 = arith.constant 0 : i32
    %swap3A_55 = arith.index_cast %swap3A : i32 to index
    %swap3A_56 = arith.index_cast %swap3A_54 : i32 to index
    %swap3A_57 = arith.constant 0 : index
    %swap3A_58 = tpu.vector_load %arg8[%swap3A_55, %swap3A_56, %swap3A_57] {strides = array<i32>} : memref<25x8x128xi32, #tpu.memory_space<vmem>>, vector<16xi32>,
    tpu.vector_store %arg8[%swap3A_55, %swap3A_56, %swap3A_57], %min3A_53 {strides = array<i32>} : memref<25x8x128xi32, #tpu.memory_space<vmem>>, vector<16xi32>,
    %get3A_59 = arith.constant 0 : i32
    %get3A_60 = arith.constant 0 : i32
    %get3A_61 = arith.index_cast %get3A_59 : i32 to index
    %get3A_62 = arith.index_cast %get3A_60 : i32 to index
    %get3A_63 = arith.constant 16 : index
    %get3A_64 = tpu.vector_load %arg8[%get3A_61, %get3A_62, %get3A_63] {strides = array<i32>} : memref<25x8x128xi32, #tpu.memory_space<vmem>>, vector<16xi32>,
    %min3A_65 = arith.constant 10000 : i32
    %min3A_66 = vector.broadcast %min3A_65 : i32 to vector<16xi32>
    %min3A_67 = arith.minsi %get3A_64, %min3A_66 : vector<16xi32>
    %swap3A_68 = arith.constant 0 : i32
    %swap3A_69 = arith.constant 0 : i32
    %swap3A_70 = arith.index_cast %swap3A_68 : i32 to index
    %swap3A_71 = arith.index_cast %swap3A_69 : i32 to index
    %swap3A_72 = arith.constant 16 : index
    %swap3A_73 = tpu.vector_load %arg8[%swap3A_70, %swap3A_71, %swap3A_72] {strides = array<i32>} : memref<25x8x128xi32, #tpu.memory_space<vmem>>, vector<16xi32>,
    tpu.vector_store %arg8[%swap3A_70, %swap3A_71, %swap3A_72], %min3A_67 {strides = array<i32>} : memref<25x8x128xi32, #tpu.memory_space<vmem>>, vector<16xi32>,
    %get3A_74 = arith.constant 0 : i32
    %get3A_75 = arith.constant 0 : i32
    %get3A_76 = arith.index_cast %get3A_74 : i32 to index
    %get3A_77 = arith.index_cast %get3A_75 : i32 to index
    %get3A_78 = arith.constant 32 : index
    %get3A_79 = tpu.vector_load %arg8[%get3A_76, %get3A_77, %get3A_78] {strides = array<i32>} : memref<25x8x128xi32, #tpu.memory_space<vmem>>, vector<16xi32>,
    %min3A_80 = arith.constant 10000 : i32
    %min3A_81 = vector.broadcast %min3A_80 : i32 to vector<16xi32>
    %min3A_82 = arith.minsi %get3A_79, %min3A_81 : vector<16xi32>
    %swap3A_83 = arith.constant 0 : i32
    %swap3A_84 = arith.constant 0 : i32
    %swap3A_85 = arith.index_cast %swap3A_83 : i32 to index
    %swap3A_86 = arith.index_cast %swap3A_84 : i32 to index
    %swap3A_87 = arith.constant 32 : index
    %swap3A_88 = tpu.vector_load %arg8[%swap3A_85, %swap3A_86, %swap3A_87] {strides = array<i32>} : memref<25x8x128xi32, #tpu.memory_space<vmem>>, vector<16xi32>,
    tpu.vector_store %arg8[%swap3A_85, %swap3A_86, %swap3A_87], %min3A_82 {strides = array<i32>} : memref<25x8x128xi32, #tpu.memory_space<vmem>>, vector<16xi32>,
    %get3A_89 = arith.constant 0 : i32
    %get3A_90 = arith.constant 0 : i32
    %get3A_91 = arith.index_cast %get3A_89 : i32 to index
    %get3A_92 = arith.index_cast %get3A_90 : i32 to index
    %get3A_93 = arith.constant 48 : index
    %get3A_94 = tpu.vector_load %arg8[%get3A_91, %get3A_92, %get3A_93] {strides = array<i32>} : memref<25x8x128xi32, #tpu.memory_space<vmem>>, vector<16xi32>,
    %min3A_95 = arith.constant 10000 : i32
    %min3A_96 = vector.broadcast %min3A_95 : i32 to vector<16xi32>
    %min3A_97 = arith.minsi %get3A_94, %min3A_96 : vector<16xi32>
    %swap3A_98 = arith.constant 0 : i32
    %swap3A_99 = arith.constant 0 : i32
    %swap3A_100 = arith.index_cast %swap3A_98 : i32 to index
    %swap3A_101 = arith.index_cast %swap3A_99 : i32 to index
    %swap3A_102 = arith.constant 48 : index
    %swap3A_103 = tpu.vector_load %arg8[%swap3A_100, %swap3A_101, %swap3A_102] {strides = array<i32>} : memref<25x8x128xi32, #tpu.memory_space<vmem>>, vector<16xi32>,
    tpu.vector_store %arg8[%swap3A_100, %swap3A_101, %swap3A_102], %min3A_97 {strides = array<i32>} : memref<25x8x128xi32, #tpu.memory_space<vmem>>, vector<16xi32>,
    %get3A_104 = arith.constant 0 : i32
    %get3A_105 = arith.constant 0 : i32
    %get3A_106 = arith.index_cast %get3A_104 : i32 to index
    %get3A_107 = arith.index_cast %get3A_105 : i32 to index
    %get3A_108 = arith.constant 64 : index
    %get3A_109 = tpu.vector_load %arg8[%get3A_106, %get3A_107, %get3A_108] {strides = array<i32>} : memref<25x8x128xi32, #tpu.memory_space<vmem>>, vector<16xi32>,
    %min3A_110 = arith.constant 10000 : i32
    %min3A_111 = vector.broadcast %min3A_110 : i32 to vector<16xi32>
    %min3A_112 = arith.minsi %get3A_109, %min3A_111 : vector<16xi32>
    %swap3A_113 = arith.constant 0 : i32
    %swap3A_114 = arith.constant 0 : i32
    %swap3A_115 = arith.index_cast %swap3A_113 : i32 to index
    %swap3A_116 = arith.index_cast %swap3A_114 : i32 to index
    %swap3A_117 = arith.constant 64 : index
    %swap3A_118 = tpu.vector_load %arg8[%swap3A_115, %swap3A_116, %swap3A_117] {strides = array<i32>} : memref<25x8x128xi32, #tpu.memory_space<vmem>>, vector<16xi32>,
    tpu.vector_store %arg8[%swap3A_115, %swap3A_116, %swap3A_117], %min3A_112 {strides = array<i32>} : memref<25x8x128xi32, #tpu.memory_space<vmem>>, vector<16xi32>,
    %get3A_119 = arith.constant 0 : i32
    %get3A_120 = arith.constant 0 : i32
    %get3A_121 = arith.index_cast %get3A_119 : i32 to index
    %get3A_122 = arith.index_cast %get3A_120 : i32 to index
    %get3A_123 = arith.constant 80 : index
    %get3A_124 = tpu.vector_load %arg8[%get3A_121, %get3A_122, %get3A_123] {strides = array<i32>} : memref<25x8x128xi32, #tpu.memory_space<vmem>>, vector<16xi32>,
    %min3A_125 = arith.constant 10000 : i32
    %min3A_126 = vector.broadcast %min3A_125 : i32 to vector<16xi32>
    %min3A_127 = arith.minsi %get3A_124, %min3A_126 : vector<16xi32>
    %swap3A_128 = arith.constant 0 : i32
    %swap3A_129 = arith.constant 0 : i32
    %swap3A_130 = arith.index_cast %swap3A_128 : i32 to index
    %swap3A_131 = arith.index_cast %swap3A_129 : i32 to index
    %swap3A_132 = arith.constant 80 : index
    %swap3A_133 = tpu.vector_load %arg8[%swap3A_130, %swap3A_131, %swap3A_132] {strides = array<i32>} : memref<25x8x128xi32, #tpu.memory_space<vmem>>, vector<16xi32>,
    tpu.vector_store %arg8[%swap3A_130, %swap3A_131, %swap3A_132], %min3A_127 {strides = array<i32>} : memref<25x8x128xi32, #tpu.memory_space<vmem>>, vector<16xi32>,
    %get3A_134 = arith.constant 0 : i32
    %get3A_135 = arith.constant 0 : i32
    %get3A_136 = arith.index_cast %get3A_134 : i32 to index
    %get3A_137 = arith.index_cast %get3A_135 : i32 to index
    %get3A_138 = arith.constant 96 : index
    %get3A_139 = tpu.vector_load %arg8[%get3A_136, %get3A_137, %get3A_138] {strides = array<i32>} : memref<25x8x128xi32, #tpu.memory_space<vmem>>, vector<16xi32>,
    %min3A_140 = arith.constant 10000 : i32
    %min3A_141 = vector.broadcast %min3A_140 : i32 to vector<16xi32>
    %min3A_142 = arith.minsi %get3A_139, %min3A_141 : vector<16xi32>
    %swap3A_143 = arith.constant 0 : i32
    %swap3A_144 = arith.constant 0 : i32
    %swap3A_145 = arith.index_cast %swap3A_143 : i32 to index
    %swap3A_146 = arith.index_cast %swap3A_144 : i32 to index
    %swap3A_147 = arith.constant 96 : index
    %swap3A_148 = tpu.vector_load %arg8[%swap3A_145, %swap3A_146, %swap3A_147] {strides = array<i32>} : memref<25x8x128xi32, #tpu.memory_space<vmem>>, vector<16xi32>,
    tpu.vector_store %arg8[%swap3A_145, %swap3A_146, %swap3A_147], %min3A_142 {strides = array<i32>} : memref<25x8x128xi32, #tpu.memory_space<vmem>>, vector<16xi32>,
    %get3A_149 = arith.constant 0 : i32
    %get3A_150 = arith.constant 0 : i32
    %get3A_151 = arith.index_cast %get3A_149 : i32 to index
    %get3A_152 = arith.index_cast %get3A_150 : i32 to index
    %get3A_153 = arith.constant 112 : index
    %get3A_154 = tpu.vector_load %arg8[%get3A_151, %get3A_152, %get3A_153] {strides = array<i32>} : memref<25x8x128xi32, #tpu.memory_space<vmem>>, vector<16xi32>,
    %min3A_155 = arith.constant 10000 : i32
    %min3A_156 = vector.broadcast %min3A_155 : i32 to vector<16xi32>
    %min3A_157 = arith.minsi %get3A_154, %min3A_156 : vector<16xi32>
    %swap3A_158 = arith.constant 0 : i32
    %swap3A_159 = arith.constant 0 : i32
    %swap3A_160 = arith.index_cast %swap3A_158 : i32 to index
    %swap3A_161 = arith.index_cast %swap3A_159 : i32 to index
    %swap3A_162 = arith.constant 112 : index
    %swap3A_163 = tpu.vector_load %arg8[%swap3A_160, %swap3A_161, %swap3A_162] {strides = array<i32>} : memref<25x8x128xi32, #tpu.memory_space<vmem>>, vector<16xi32>,
    tpu.vector_store %arg8[%swap3A_160, %swap3A_161, %swap3A_162], %min3A_157 {strides = array<i32>} : memref<25x8x128xi32, #tpu.memory_space<vmem>>, vector<16xi32>,
    %dma_start3A = arith.constant 0 : i32
    %dma_start3A_164 = arith.constant 0 : i32
    %dma_start3A_165 = arith.constant 0 : i32
    %dma_start3A_166 = arith.constant 0 : i32
    %dma_start3A_167 = arith.constant 0 : i32
    %dma_start3A_168 = tpu.memref_slice %arg10[%dma_start3A_165, %dma_start3A_166, %dma_start3A_167] : memref<2x128x64xf32, #tpu.memory_space<vmem>> -> memref<1x128x64xf32, #tpu.memory_space<vmem>>
    %dma_start3A_169 = tpu.memref_squeeze %dma_start3A_168 : memref<1x128x64xf32, #tpu.memory_space<vmem>> -> memref<128x64xf32, #tpu.memory_space<vmem>>
    %dma_start3A_170 = arith.constant 0 : i32
    %dma_start3A_171 = tpu.memref_slice %arg8[%dma_start3A, %dma_start3A_164, %dma_start3A_170] : memref<25x8x128xi32, #tpu.memory_space<vmem>> -> memref<1x1x128xi32, #tpu.memory_space<vmem>>
    %dma_start3A_172 = tpu.memref_squeeze %dma_start3A_171 : memref<1x1x128xi32, #tpu.memory_space<vmem>> -> memref<128xi32, #tpu.memory_space<vmem>>
    %dma_start3A_173 = arith.constant 0 : i32
    %dma_start3A_174 = arith.constant 0 : i32
    %dma_start3A_175 = tpu.memref_slice %arg4[%dma_start3A_173, %dma_start3A_174] : memref<10004x64xf32, #tpu.memory_space<hbm>> -> memref<10004x64xf32, #tpu.memory_space<hbm>>
    tpu.enqueue_indirect_dma source(%dma_start3A_175 : memref<10004x64xf32, #tpu.memory_space<hbm>>) target(%dma_start3A_169 : memref<128x64xf32, #tpu.memory_space<vmem>>) offsets(%dma_start3A_172 : memref<128xi32, #tpu.memory_space<vmem>>) semaphore(%arg14 : memref<!tpu.dma_semaphore, #tpu.memory_space<semaphore_mem>>)
    %dma_start3A_176 = arith.constant 0 : i32
    %dma_start3A_177 = arith.constant 0 : i32
    %dma_start3A_178 = arith.constant 0 : i32
    %dma_start3A_179 = arith.constant 0 : i32
    %dma_start3A_180 = arith.constant 0 : i32
    %dma_start3A_181 = tpu.memref_slice %arg11[%dma_start3A_178, %dma_start3A_179, %dma_start3A_180] : memref<2x128x64xf32, #tpu.memory_space<vmem>> -> memref<1x128x64xf32, #tpu.memory_space<vmem>>
    %dma_start3A_182 = tpu.memref_squeeze %dma_start3A_181 : memref<1x128x64xf32, #tpu.memory_space<vmem>> -> memref<128x64xf32, #tpu.memory_space<vmem>>
    %dma_start3A_183 = arith.constant 0 : i32
    %dma_start3A_184 = tpu.memref_slice %arg9[%dma_start3A_176, %dma_start3A_177, %dma_start3A_183] : memref<25x8x128xi32, #tpu.memory_space<vmem>> -> memref<1x1x128xi32, #tpu.memory_space<vmem>>
    %dma_start3A_185 = tpu.memref_squeeze %dma_start3A_184 : memref<1x1x128xi32, #tpu.memory_space<vmem>> -> memref<128xi32, #tpu.memory_space<vmem>>
    %dma_start3A_186 = arith.constant 0 : i32
    %dma_start3A_187 = arith.constant 0 : i32
    %dma_start3A_188 = tpu.memref_slice %arg5[%dma_start3A_186, %dma_start3A_187] : memref<100003x64xf32, #tpu.memory_space<hbm>> -> memref<100003x64xf32, #tpu.memory_space<hbm>>
    tpu.enqueue_indirect_dma source(%dma_start3A_188 : memref<100003x64xf32, #tpu.memory_space<hbm>>) target(%dma_start3A_182 : memref<128x64xf32, #tpu.memory_space<vmem>>) offsets(%dma_start3A_185 : memref<128xi32, #tpu.memory_space<vmem>>) semaphore(%arg14 : memref<!tpu.dma_semaphore, #tpu.memory_space<semaphore_mem>>)
    %scan3A = arith.constant 0 : i32
    %scan3A_189 = arith.constant 100 : i32
    %scan3A_190 = arith.addi %scan3A, %scan3A_189 : i32
    %scan3A_191 = arith.constant 1 : i32
    scf.for %scan3A_238 = %scan3A to %scan3A_190 step %scan3A_191  : i32 {
      %mul3A_239 = arith.constant 2 : i32
      %mul3A_240 = arith.muli %scan3A_238, %mul3A_239 : i32
      %add3A_241 = arith.constant 0 : i32
      %add3A_242 = arith.addi %add3A_241, %mul3A_240 : i32
      %add3A_243 = arith.constant 0 : i32
      %add3A_244 = arith.addi %add3A_242, %add3A_243 : i32
      %add3A_245 = arith.constant 1 : i32
      %add3A_246 = arith.addi %add3A_244, %add3A_245 : i32
      %lt3A = arith.constant 200 : i32
      %lt3A_247 = arith.cmpi slt, %add3A_246, %lt3A : i32
      %convert_element_type3A = arith.extui %lt3A_247 : i1 to i32
      %cond3A = arith.constant 0 : i32
      %cond3A_248 = arith.cmpi ne, %convert_element_type3A, %cond3A : i32
      scf.if %cond3A_248 {
        %shift_right_arithmetic3A_390 = arith.constant 3 : i32
        %shift_right_arithmetic3A_391 = arith.shrsi %add3A_246, %shift_right_arithmetic3A_390 : i32
        %and3A_392 = arith.constant 7 : i32
        %and3A_393 = arith.andi %add3A_246, %and3A_392 : i32
        %get3A_394 = arith.index_cast %shift_right_arithmetic3A_391 : i32 to index
        %get3A_395 = arith.index_cast %and3A_393 : i32 to index
        %get3A_396 = arith.constant 0 : index
        %get3A_397 = tpu.vector_load %arg8[%get3A_394, %get3A_395, %get3A_396] {strides = array<i32>} : memref<25x8x128xi32, #tpu.memory_space<vmem>>, vector<16xi32>,
        %min3A_398 = arith.constant 10000 : i32
        %min3A_399 = vector.broadcast %min3A_398 : i32 to vector<16xi32>
        %min3A_400 = arith.minsi %get3A_397, %min3A_399 : vector<16xi32>
        %swap3A_401 = arith.index_cast %shift_right_arithmetic3A_391 : i32 to index
        %swap3A_402 = arith.index_cast %and3A_393 : i32 to index
        %swap3A_403 = arith.constant 0 : index
        %swap3A_404 = tpu.vector_load %arg8[%swap3A_401, %swap3A_402, %swap3A_403] {strides = array<i32>} : memref<25x8x128xi32, #tpu.memory_space<vmem>>, vector<16xi32>,
        tpu.vector_store %arg8[%swap3A_401, %swap3A_402, %swap3A_403], %min3A_400 {strides = array<i32>} : memref<25x8x128xi32, #tpu.memory_space<vmem>>, vector<16xi32>,
        %get3A_405 = arith.index_cast %shift_right_arithmetic3A_391 : i32 to index
        %get3A_406 = arith.index_cast %and3A_393 : i32 to index
        %get3A_407 = arith.constant 16 : index
        %get3A_408 = tpu.vector_load %arg8[%get3A_405, %get3A_406, %get3A_407] {strides = array<i32>} : memref<25x8x128xi32, #tpu.memory_space<vmem>>, vector<16xi32>,
        %min3A_409 = arith.constant 10000 : i32
        %min3A_410 = vector.broadcast %min3A_409 : i32 to vector<16xi32>
        %min3A_411 = arith.minsi %get3A_408, %min3A_410 : vector<16xi32>
        %swap3A_412 = arith.index_cast %shift_right_arithmetic3A_391 : i32 to index
        %swap3A_413 = arith.index_cast %and3A_393 : i32 to index
        %swap3A_414 = arith.constant 16 : index
        %swap3A_415 = tpu.vector_load %arg8[%swap3A_412, %swap3A_413, %swap3A_414] {strides = array<i32>} : memref<25x8x128xi32, #tpu.memory_space<vmem>>, vector<16xi32>,
        tpu.vector_store %arg8[%swap3A_412, %swap3A_413, %swap3A_414], %min3A_411 {strides = array<i32>} : memref<25x8x128xi32, #tpu.memory_space<vmem>>, vector<16xi32>,
        %get3A_416 = arith.index_cast %shift_right_arithmetic3A_391 : i32 to index
        %get3A_417 = arith.index_cast %and3A_393 : i32 to index
        %get3A_418 = arith.constant 32 : index
        %get3A_419 = tpu.vector_load %arg8[%get3A_416, %get3A_417, %get3A_418] {strides = array<i32>} : memref<25x8x128xi32, #tpu.memory_space<vmem>>, vector<16xi32>,
        %min3A_420 = arith.constant 10000 : i32
        %min3A_421 = vector.broadcast %min3A_420 : i32 to vector<16xi32>
        %min3A_422 = arith.minsi %get3A_419, %min3A_421 : vector<16xi32>
        %swap3A_423 = arith.index_cast %shift_right_arithmetic3A_391 : i32 to index
        %swap3A_424 = arith.index_cast %and3A_393 : i32 to index
        %swap3A_425 = arith.constant 32 : index
        %swap3A_426 = tpu.vector_load %arg8[%swap3A_423, %swap3A_424, %swap3A_425] {strides = array<i32>} : memref<25x8x128xi32, #tpu.memory_space<vmem>>, vector<16xi32>,
        tpu.vector_store %arg8[%swap3A_423, %swap3A_424, %swap3A_425], %min3A_422 {strides = array<i32>} : memref<25x8x128xi32, #tpu.memory_space<vmem>>, vector<16xi32>,
        %get3A_427 = arith.index_cast %shift_right_arithmetic3A_391 : i32 to index
        %get3A_428 = arith.index_cast %and3A_393 : i32 to index
        %get3A_429 = arith.constant 48 : index
        %get3A_430 = tpu.vector_load %arg8[%get3A_427, %get3A_428, %get3A_429] {strides = array<i32>} : memref<25x8x128xi32, #tpu.memory_space<vmem>>, vector<16xi32>,
        %min3A_431 = arith.constant 10000 : i32
        %min3A_432 = vector.broadcast %min3A_431 : i32 to vector<16xi32>
        %min3A_433 = arith.minsi %get3A_430, %min3A_432 : vector<16xi32>
        %swap3A_434 = arith.index_cast %shift_right_arithmetic3A_391 : i32 to index
        %swap3A_435 = arith.index_cast %and3A_393 : i32 to index
        %swap3A_436 = arith.constant 48 : index
        %swap3A_437 = tpu.vector_load %arg8[%swap3A_434, %swap3A_435, %swap3A_436] {strides = array<i32>} : memref<25x8x128xi32, #tpu.memory_space<vmem>>, vector<16xi32>,
        tpu.vector_store %arg8[%swap3A_434, %swap3A_435, %swap3A_436], %min3A_433 {strides = array<i32>} : memref<25x8x128xi32, #tpu.memory_space<vmem>>, vector<16xi32>,
        %get3A_438 = arith.index_cast %shift_right_arithmetic3A_391 : i32 to index
        %get3A_439 = arith.index_cast %and3A_393 : i32 to index
        %get3A_440 = arith.constant 64 : index
        %get3A_441 = tpu.vector_load %arg8[%get3A_438, %get3A_439, %get3A_440] {strides = array<i32>} : memref<25x8x128xi32, #tpu.memory_space<vmem>>, vector<16xi32>,
        %min3A_442 = arith.constant 10000 : i32
        %min3A_443 = vector.broadcast %min3A_442 : i32 to vector<16xi32>
        %min3A_444 = arith.minsi %get3A_441, %min3A_443 : vector<16xi32>
        %swap3A_445 = arith.index_cast %shift_right_arithmetic3A_391 : i32 to index
        %swap3A_446 = arith.index_cast %and3A_393 : i32 to index
        %swap3A_447 = arith.constant 64 : index
        %swap3A_448 = tpu.vector_load %arg8[%swap3A_445, %swap3A_446, %swap3A_447] {strides = array<i32>} : memref<25x8x128xi32, #tpu.memory_space<vmem>>, vector<16xi32>,
        tpu.vector_store %arg8[%swap3A_445, %swap3A_446, %swap3A_447], %min3A_444 {strides = array<i32>} : memref<25x8x128xi32, #tpu.memory_space<vmem>>, vector<16xi32>,
        %get3A_449 = arith.index_cast %shift_right_arithmetic3A_391 : i32 to index
        %get3A_450 = arith.index_cast %and3A_393 : i32 to index
        %get3A_451 = arith.constant 80 : index
        %get3A_452 = tpu.vector_load %arg8[%get3A_449, %get3A_450, %get3A_451] {strides = array<i32>} : memref<25x8x128xi32, #tpu.memory_space<vmem>>, vector<16xi32>,
        %min3A_453 = arith.constant 10000 : i32
        %min3A_454 = vector.broadcast %min3A_453 : i32 to vector<16xi32>
        %min3A_455 = arith.minsi %get3A_452, %min3A_454 : vector<16xi32>
        %swap3A_456 = arith.index_cast %shift_right_arithmetic3A_391 : i32 to index
        %swap3A_457 = arith.index_cast %and3A_393 : i32 to index
        %swap3A_458 = arith.constant 80 : index
        %swap3A_459 = tpu.vector_load %arg8[%swap3A_456, %swap3A_457, %swap3A_458] {strides = array<i32>} : memref<25x8x128xi32, #tpu.memory_space<vmem>>, vector<16xi32>,
        tpu.vector_store %arg8[%swap3A_456, %swap3A_457, %swap3A_458], %min3A_455 {strides = array<i32>} : memref<25x8x128xi32, #tpu.memory_space<vmem>>, vector<16xi32>,
        %get3A_460 = arith.index_cast %shift_right_arithmetic3A_391 : i32 to index
        %get3A_461 = arith.index_cast %and3A_393 : i32 to index
        %get3A_462 = arith.constant 96 : index
        %get3A_463 = tpu.vector_load %arg8[%get3A_460, %get3A_461, %get3A_462] {strides = array<i32>} : memref<25x8x128xi32, #tpu.memory_space<vmem>>, vector<16xi32>,
        %min3A_464 = arith.constant 10000 : i32
        %min3A_465 = vector.broadcast %min3A_464 : i32 to vector<16xi32>
        %min3A_466 = arith.minsi %get3A_463, %min3A_465 : vector<16xi32>
        %swap3A_467 = arith.index_cast %shift_right_arithmetic3A_391 : i32 to index
        %swap3A_468 = arith.index_cast %and3A_393 : i32 to index
        %swap3A_469 = arith.constant 96 : index
        %swap3A_470 = tpu.vector_load %arg8[%swap3A_467, %swap3A_468, %swap3A_469] {strides = array<i32>} : memref<25x8x128xi32, #tpu.memory_space<vmem>>, vector<16xi32>,
        tpu.vector_store %arg8[%swap3A_467, %swap3A_468, %swap3A_469], %min3A_466 {strides = array<i32>} : memref<25x8x128xi32, #tpu.memory_space<vmem>>, vector<16xi32>,
        %get3A_471 = arith.index_cast %shift_right_arithmetic3A_391 : i32 to index
        %get3A_472 = arith.index_cast %and3A_393 : i32 to index
        %get3A_473 = arith.constant 112 : index
        %get3A_474 = tpu.vector_load %arg8[%get3A_471, %get3A_472, %get3A_473] {strides = array<i32>} : memref<25x8x128xi32, #tpu.memory_space<vmem>>, vector<16xi32>,
        %min3A_475 = arith.constant 10000 : i32
        %min3A_476 = vector.broadcast %min3A_475 : i32 to vector<16xi32>
        %min3A_477 = arith.minsi %get3A_474, %min3A_476 : vector<16xi32>
        %swap3A_478 = arith.index_cast %shift_right_arithmetic3A_391 : i32 to index
        %swap3A_479 = arith.index_cast %and3A_393 : i32 to index
        %swap3A_480 = arith.constant 112 : index
        %swap3A_481 = tpu.vector_load %arg8[%swap3A_478, %swap3A_479, %swap3A_480] {strides = array<i32>} : memref<25x8x128xi32, #tpu.memory_space<vmem>>, vector<16xi32>,
        tpu.vector_store %arg8[%swap3A_478, %swap3A_479, %swap3A_480], %min3A_477 {strides = array<i32>} : memref<25x8x128xi32, #tpu.memory_space<vmem>>, vector<16xi32>,
        %shift_right_arithmetic3A_482 = arith.constant 3 : i32
        %shift_right_arithmetic3A_483 = arith.shrsi %add3A_246, %shift_right_arithmetic3A_482 : i32
        %and3A_484 = arith.constant 7 : i32
        %and3A_485 = arith.andi %add3A_246, %and3A_484 : i32
        %dma_start3A_486 = arith.constant 1 : i32
        %dma_start3A_487 = arith.constant 0 : i32
        %dma_start3A_488 = arith.constant 0 : i32
        %dma_start3A_489 = tpu.memref_slice %arg10[%dma_start3A_486, %dma_start3A_487, %dma_start3A_488] : memref<2x128x64xf32, #tpu.memory_space<vmem>> -> memref<1x128x64xf32, #tpu.memory_space<vmem>>
        %dma_start3A_490 = tpu.memref_squeeze %dma_start3A_489 : memref<1x128x64xf32, #tpu.memory_space<vmem>> -> memref<128x64xf32, #tpu.memory_space<vmem>>
        %dma_start3A_491 = arith.constant 0 : i32
        %dma_start3A_492 = tpu.memref_slice %arg8[%shift_right_arithmetic3A_483, %and3A_485, %dma_start3A_491] : memref<25x8x128xi32, #tpu.memory_space<vmem>> -> memref<1x1x128xi32, #tpu.memory_space<vmem>>
        %dma_start3A_493 = tpu.memref_squeeze %dma_start3A_492 : memref<1x1x128xi32, #tpu.memory_space<vmem>> -> memref<128xi32, #tpu.memory_space<vmem>>
        %dma_start3A_494 = arith.constant 0 : i32
        %dma_start3A_495 = arith.constant 0 : i32
        %dma_start3A_496 = tpu.memref_slice %arg4[%dma_start3A_494, %dma_start3A_495] : memref<10004x64xf32, #tpu.memory_space<hbm>> -> memref<10004x64xf32, #tpu.memory_space<hbm>>
        tpu.enqueue_indirect_dma source(%dma_start3A_496 : memref<10004x64xf32, #tpu.memory_space<hbm>>) target(%dma_start3A_490 : memref<128x64xf32, #tpu.memory_space<vmem>>) offsets(%dma_start3A_493 : memref<128xi32, #tpu.memory_space<vmem>>) semaphore(%arg15 : memref<!tpu.dma_semaphore, #tpu.memory_space<semaphore_mem>>)
        %dma_start3A_497 = arith.constant 1 : i32
        %dma_start3A_498 = arith.constant 0 : i32
        %dma_start3A_499 = arith.constant 0 : i32
        %dma_start3A_500 = tpu.memref_slice %arg11[%dma_start3A_497, %dma_start3A_498, %dma_start3A_499] : memref<2x128x64xf32, #tpu.memory_space<vmem>> -> memref<1x128x64xf32, #tpu.memory_space<vmem>>
        %dma_start3A_501 = tpu.memref_squeeze %dma_start3A_500 : memref<1x128x64xf32, #tpu.memory_space<vmem>> -> memref<128x64xf32, #tpu.memory_space<vmem>>
        %dma_start3A_502 = arith.constant 0 : i32
        %dma_start3A_503 = tpu.memref_slice %arg9[%shift_right_arithmetic3A_483, %and3A_485, %dma_start3A_502] : memref<25x8x128xi32, #tpu.memory_space<vmem>> -> memref<1x1x128xi32, #tpu.memory_space<vmem>>
        %dma_start3A_504 = tpu.memref_squeeze %dma_start3A_503 : memref<1x1x128xi32, #tpu.memory_space<vmem>> -> memref<128xi32, #tpu.memory_space<vmem>>
        %dma_start3A_505 = arith.constant 0 : i32
        %dma_start3A_506 = arith.constant 0 : i32
        %dma_start3A_507 = tpu.memref_slice %arg5[%dma_start3A_505, %dma_start3A_506] : memref<100003x64xf32, #tpu.memory_space<hbm>> -> memref<100003x64xf32, #tpu.memory_space<hbm>>
        tpu.enqueue_indirect_dma source(%dma_start3A_507 : memref<100003x64xf32, #tpu.memory_space<hbm>>) target(%dma_start3A_501 : memref<128x64xf32, #tpu.memory_space<vmem>>) offsets(%dma_start3A_504 : memref<128xi32, #tpu.memory_space<vmem>>) semaphore(%arg15 : memref<!tpu.dma_semaphore, #tpu.memory_space<semaphore_mem>>)
      } else {
      }
      %dma_wait3A_249 = arith.constant 0 : i32
      %dma_wait3A_250 = arith.constant 0 : i32
      %dma_wait3A_251 = arith.constant 0 : i32
      %dma_wait3A_252 = arith.constant 0 : i32
      %dma_wait3A_253 = arith.constant 0 : i32
      %dma_wait3A_254 = tpu.memref_slice %arg10[%dma_wait3A_251, %dma_wait3A_252, %dma_wait3A_253] : memref<2x128x64xf32, #tpu.memory_space<vmem>> -> memref<1x128x64xf32, #tpu.memory_space<vmem>>
      %dma_wait3A_255 = tpu.memref_squeeze %dma_wait3A_254 : memref<1x128x64xf32, #tpu.memory_space<vmem>> -> memref<128x64xf32, #tpu.memory_space<vmem>>
      %dma_wait3A_256 = arith.constant 0 : i32
      %dma_wait3A_257 = tpu.memref_slice %arg8[%dma_wait3A_249, %dma_wait3A_250, %dma_wait3A_256] : memref<25x8x128xi32, #tpu.memory_space<vmem>> -> memref<1x1x128xi32, #tpu.memory_space<vmem>>
      %dma_wait3A_258 = tpu.memref_squeeze %dma_wait3A_257 : memref<1x1x128xi32, #tpu.memory_space<vmem>> -> memref<128xi32, #tpu.memory_space<vmem>>
      %dma_wait3A_259 = arith.constant 0 : i32
      %dma_wait3A_260 = arith.constant 0 : i32
      %dma_wait3A_261 = tpu.memref_slice %arg4[%dma_wait3A_259, %dma_wait3A_260] : memref<10004x64xf32, #tpu.memory_space<hbm>> -> memref<10004x64xf32, #tpu.memory_space<hbm>>
      tpu.wait_indirect_dma semaphore(%arg14 : memref<!tpu.dma_semaphore, #tpu.memory_space<semaphore_mem>>) src(%dma_wait3A_261 : memref<10004x64xf32, #tpu.memory_space<hbm>>) dst(%dma_wait3A_255 : memref<128x64xf32, #tpu.memory_space<vmem>>)
      %dma_wait3A_262 = arith.constant 0 : i32
      %dma_wait3A_263 = arith.constant 0 : i32
      %dma_wait3A_264 = arith.constant 0 : i32
      %dma_wait3A_265 = arith.constant 0 : i32
      %dma_wait3A_266 = arith.constant 0 : i32
      %dma_wait3A_267 = tpu.memref_slice %arg11[%dma_wait3A_264, %dma_wait3A_265, %dma_wait3A_266] : memref<2x128x64xf32, #tpu.memory_space<vmem>> -> memref<1x128x64xf32, #tpu.memory_space<vmem>>
      %dma_wait3A_268 = tpu.memref_squeeze %dma_wait3A_267 : memref<1x128x64xf32, #tpu.memory_space<vmem>> -> memref<128x64xf32, #tpu.memory_space<vmem>>
      %dma_wait3A_269 = arith.constant 0 : i32
      %dma_wait3A_270 = tpu.memref_slice %arg9[%dma_wait3A_262, %dma_wait3A_263, %dma_wait3A_269] : memref<25x8x128xi32, #tpu.memory_space<vmem>> -> memref<1x1x128xi32, #tpu.memory_space<vmem>>
      %dma_wait3A_271 = tpu.memref_squeeze %dma_wait3A_270 : memref<1x1x128xi32, #tpu.memory_space<vmem>> -> memref<128xi32, #tpu.memory_space<vmem>>
      %dma_wait3A_272 = arith.constant 0 : i32
      %dma_wait3A_273 = arith.constant 0 : i32
      %dma_wait3A_274 = tpu.memref_slice %arg5[%dma_wait3A_272, %dma_wait3A_273] : memref<100003x64xf32, #tpu.memory_space<hbm>> -> memref<100003x64xf32, #tpu.memory_space<hbm>>
      tpu.wait_indirect_dma semaphore(%arg14 : memref<!tpu.dma_semaphore, #tpu.memory_space<semaphore_mem>>) src(%dma_wait3A_274 : memref<100003x64xf32, #tpu.memory_space<hbm>>) dst(%dma_wait3A_268 : memref<128x64xf32, #tpu.memory_space<vmem>>)
      %ge3A = arith.constant 2 : i32
      %ge3A_275 = arith.cmpi sge, %add3A_244, %ge3A : i32
      %convert_element_type3A_276 = arith.extui %ge3A_275 : i1 to i32
      %cond3A_277 = arith.constant 0 : i32
      %cond3A_278 = arith.cmpi ne, %convert_element_type3A_276, %cond3A_277 : i32
      scf.if %cond3A_278 {
        %dma_wait3A_390 = arith.constant 0 : i32
        %dma_wait3A_391 = arith.constant 0 : i32
        %dma_wait3A_392 = arith.constant 0 : i32
        %dma_wait3A_393 = arith.constant 0 : i32
        %dma_wait3A_394 = arith.constant 0 : i32
        %dma_wait3A_395 = arith.constant 0 : i32
        %dma_wait3A_396 = tpu.memref_slice %arg12[%dma_wait3A_390, %dma_wait3A_393, %dma_wait3A_394, %dma_wait3A_395] : memref<2x8x8x129xf32, #tpu.memory_space<vmem>> -> memref<1x8x8x128xf32, #tpu.memory_space<vmem>>
        %dma_wait3A_397 = tpu.memref_squeeze %dma_wait3A_396 : memref<1x8x8x128xf32, #tpu.memory_space<vmem>> -> memref<8x8x128xf32, #tpu.memory_space<vmem>>
        %dma_wait3A_398 = arith.constant 0 : i32
        %dma_wait3A_399 = arith.constant 0 : i32
        %dma_wait3A_400 = arith.constant 0 : i32
        %dma_wait3A_401 = tpu.memref_slice %arg7[%dma_wait3A_391, %dma_wait3A_398, %dma_wait3A_392, %dma_wait3A_399, %dma_wait3A_400] : memref<200x8x32x8x128xf32, #tpu.memory_space<hbm>> -> memref<1x8x1x8x128xf32, #tpu.memory_space<hbm>>
        %dma_wait3A_402 = tpu.memref_squeeze %dma_wait3A_401 : memref<1x8x1x8x128xf32, #tpu.memory_space<hbm>> -> memref<8x8x128xf32, #tpu.memory_space<hbm>>
        %dma_wait3A_403 = arith.constant 0 : i32
        %dma_wait3A_404 = arith.constant 0 : i32
        %dma_wait3A_405 = arith.constant 0 : i32
        %dma_wait3A_406 = tpu.memref_slice %arg7[%dma_wait3A_391, %dma_wait3A_403, %dma_wait3A_392, %dma_wait3A_404, %dma_wait3A_405] : memref<200x8x32x8x128xf32, #tpu.memory_space<hbm>> -> memref<1x8x1x8x128xf32, #tpu.memory_space<hbm>>
        %dma_wait3A_407 = tpu.memref_squeeze %dma_wait3A_406 : memref<1x8x1x8x128xf32, #tpu.memory_space<hbm>> -> memref<8x8x128xf32, #tpu.memory_space<hbm>>
        %dma_wait3A_408 = arith.constant 0 : i32
        %dma_wait3A_409 = arith.constant 0 : i32
        %dma_wait3A_410 = arith.constant 0 : i32
        %dma_wait3A_411 = tpu.memref_slice %arg12[%dma_wait3A_390, %dma_wait3A_408, %dma_wait3A_409, %dma_wait3A_410] : memref<2x8x8x129xf32, #tpu.memory_space<vmem>> -> memref<1x8x8x128xf32, #tpu.memory_space<vmem>>
        %dma_wait3A_412 = tpu.memref_squeeze %dma_wait3A_411 : memref<1x8x8x128xf32, #tpu.memory_space<vmem>> -> memref<8x8x128xf32, #tpu.memory_space<vmem>>
        tpu.wait_dma2 semaphore(%arg16 : memref<!tpu.dma_semaphore, #tpu.memory_space<semaphore_mem>>) src(%dma_wait3A_412 : memref<8x8x128xf32, #tpu.memory_space<vmem>>) dst(%dma_wait3A_407 : memref<8x8x128xf32, #tpu.memory_space<hbm>>)
      } else {
      }
      %get3A_279 = arith.index_cast %add3A_244 : i32 to index
      %get3A_280 = arith.constant 0 : index
      %get3A_281 = tpu.vector_load %arg13[%get3A_279, %get3A_280] {strides = array<i32>} : memref<200x64xf32, #tpu.memory_space<vmem>>, vector<16xf32>,
      %get3A_282 = arith.index_cast %add3A_244 : i32 to index
      %get3A_283 = arith.constant 16 : index
      %get3A_284 = tpu.vector_load %arg13[%get3A_282, %get3A_283] {strides = array<i32>} : memref<200x64xf32, #tpu.memory_space<vmem>>, vector<16xf32>,
      %get3A_285 = arith.index_cast %add3A_244 : i32 to index
      %get3A_286 = arith.constant 32 : index
      %get3A_287 = tpu.vector_load %arg13[%get3A_285, %get3A_286] {strides = array<i32>} : memref<200x64xf32, #tpu.memory_space<vmem>>, vector<16xf32>,
      %get3A_288 = arith.index_cast %add3A_244 : i32 to index
      %get3A_289 = arith.constant 48 : index
      %get3A_290 = tpu.vector_load %arg13[%get3A_288, %get3A_289] {strides = array<i32>} : memref<200x64xf32, #tpu.memory_space<vmem>>, vector<16xf32>,
      %parallel_loop3A = arith.constant 0 : i32
      %parallel_loop3A_291 = arith.constant 128 : i32
      %parallel_loop3A_292 = arith.constant 1 : i32
      scf.for %parallel_loop3A_390 = %parallel_loop3A to %parallel_loop3A_291 step %parallel_loop3A_292  : i32 {
        %parallel_loop3A_391 = vector.broadcast %parallel_loop3A_390 : i32 to vector<16xi32>
        %parallel_loop3A_392 = arith.constant 0 : i32
        %parallel_loop3A_393 = arith.index_cast %parallel_loop3A_392 : i32 to index
        %parallel_loop3A_394 = arith.index_cast %parallel_loop3A_390 : i32 to index
        %parallel_loop3A_395 = arith.constant 0 : index
        %parallel_loop3A_396 = tpu.vector_load %arg10[%parallel_loop3A_393, %parallel_loop3A_394, %parallel_loop3A_395] {strides = array<i32>} : memref<2x128x64xf32, #tpu.memory_space<vmem>>, vector<16xf32>,
        %parallel_loop3A_397 = arith.constant 0 : i32
        %parallel_loop3A_398 = arith.index_cast %parallel_loop3A_397 : i32 to index
        %parallel_loop3A_399 = arith.index_cast %parallel_loop3A_390 : i32 to index
        %parallel_loop3A_400 = arith.constant 0 : index
        %parallel_loop3A_401 = tpu.vector_load %arg11[%parallel_loop3A_398, %parallel_loop3A_399, %parallel_loop3A_400] {strides = array<i32>} : memref<2x128x64xf32, #tpu.memory_space<vmem>>, vector<16xf32>,
        %parallel_loop3A_402 = arith.addf %parallel_loop3A_396, %parallel_loop3A_401 : vector<16xf32>
        %parallel_loop3A_403 = arith.addf %parallel_loop3A_402, %get3A_281 : vector<16xf32>
        %parallel_loop3A_404 = arith.constant 0 : i32
        %parallel_loop3A_405 = arith.constant 0 : i32
        %parallel_loop3A_406 = arith.constant 0 : i32
        %parallel_loop3A_407 = arith.constant 0 : i32
        %parallel_loop3A_408 = tpu.memref_slice %arg12[%parallel_loop3A_404, %parallel_loop3A_405, %parallel_loop3A_406, %parallel_loop3A_407] : memref<2x8x8x129xf32, #tpu.memory_space<vmem>> -> memref<1x8x8x129xf32, #tpu.memory_space<vmem>>
        %parallel_loop3A_409 = tpu.memref_squeeze %parallel_loop3A_408 : memref<1x8x8x129xf32, #tpu.memory_space<vmem>> -> memref<8x8x129xf32, #tpu.memory_space<vmem>>
        tpu.vector_store_idx %parallel_loop3A_409[%shift_right_arithmetic3A_5, %and3A_28, %parallel_loop3A_391], %parallel_loop3A_403 : memref<8x8x129xf32, #tpu.memory_space<vmem>>[vector<16xi32>, vector<16xi32>, vector<16xi32>], vector<16xf32>,
        %parallel_loop3A_410 = arith.constant 0 : i32
        %parallel_loop3A_411 = arith.index_cast %parallel_loop3A_410 : i32 to index
        %parallel_loop3A_412 = arith.index_cast %parallel_loop3A_390 : i32 to index
        %parallel_loop3A_413 = arith.constant 16 : index
        %parallel_loop3A_414 = tpu.vector_load %arg10[%parallel_loop3A_411, %parallel_loop3A_412, %parallel_loop3A_413] {strides = array<i32>} : memref<2x128x64xf32, #tpu.memory_space<vmem>>, vector<16xf32>,
        %parallel_loop3A_415 = arith.constant 0 : i32
        %parallel_loop3A_416 = arith.index_cast %parallel_loop3A_415 : i32 to index
        %parallel_loop3A_417 = arith.index_cast %parallel_loop3A_390 : i32 to index
        %parallel_loop3A_418 = arith.constant 16 : index
        %parallel_loop3A_419 = tpu.vector_load %arg11[%parallel_loop3A_416, %parallel_loop3A_417, %parallel_loop3A_418] {strides = array<i32>} : memref<2x128x64xf32, #tpu.memory_space<vmem>>, vector<16xf32>,
        %parallel_loop3A_420 = arith.addf %parallel_loop3A_414, %parallel_loop3A_419 : vector<16xf32>
        %parallel_loop3A_421 = arith.addf %parallel_loop3A_420, %get3A_284 : vector<16xf32>
        %parallel_loop3A_422 = arith.constant 0 : i32
        %parallel_loop3A_423 = arith.constant 0 : i32
        %parallel_loop3A_424 = arith.constant 0 : i32
        %parallel_loop3A_425 = arith.constant 0 : i32
        %parallel_loop3A_426 = tpu.memref_slice %arg12[%parallel_loop3A_422, %parallel_loop3A_423, %parallel_loop3A_424, %parallel_loop3A_425] : memref<2x8x8x129xf32, #tpu.memory_space<vmem>> -> memref<1x8x8x129xf32, #tpu.memory_space<vmem>>
        %parallel_loop3A_427 = tpu.memref_squeeze %parallel_loop3A_426 : memref<1x8x8x129xf32, #tpu.memory_space<vmem>> -> memref<8x8x129xf32, #tpu.memory_space<vmem>>
        tpu.vector_store_idx %parallel_loop3A_427[%shift_right_arithmetic3A_11, %and3A_34, %parallel_loop3A_391], %parallel_loop3A_421 : memref<8x8x129xf32, #tpu.memory_space<vmem>>[vector<16xi32>, vector<16xi32>, vector<16xi32>], vector<16xf32>,
        %parallel_loop3A_428 = arith.constant 0 : i32
        %parallel_loop3A_429 = arith.index_cast %parallel_loop3A_428 : i32 to index
        %parallel_loop3A_430 = arith.index_cast %parallel_loop3A_390 : i32 to index
        %parallel_loop3A_431 = arith.constant 32 : index
        %parallel_loop3A_432 = tpu.vector_load %arg10[%parallel_loop3A_429, %parallel_loop3A_430, %parallel_loop3A_431] {strides = array<i32>} : memref<2x128x64xf32, #tpu.memory_space<vmem>>, vector<16xf32>,
        %parallel_loop3A_433 = arith.constant 0 : i32
        %parallel_loop3A_434 = arith.index_cast %parallel_loop3A_433 : i32 to index
        %parallel_loop3A_435 = arith.index_cast %parallel_loop3A_390 : i32 to index
        %parallel_loop3A_436 = arith.constant 32 : index
        %parallel_loop3A_437 = tpu.vector_load %arg11[%parallel_loop3A_434, %parallel_loop3A_435, %parallel_loop3A_436] {strides = array<i32>} : memref<2x128x64xf32, #tpu.memory_space<vmem>>, vector<16xf32>,
        %parallel_loop3A_438 = arith.addf %parallel_loop3A_432, %parallel_loop3A_437 : vector<16xf32>
        %parallel_loop3A_439 = arith.addf %parallel_loop3A_438, %get3A_287 : vector<16xf32>
        %parallel_loop3A_440 = arith.constant 0 : i32
        %parallel_loop3A_441 = arith.constant 0 : i32
        %parallel_loop3A_442 = arith.constant 0 : i32
        %parallel_loop3A_443 = arith.constant 0 : i32
        %parallel_loop3A_444 = tpu.memref_slice %arg12[%parallel_loop3A_440, %parallel_loop3A_441, %parallel_loop3A_442, %parallel_loop3A_443] : memref<2x8x8x129xf32, #tpu.memory_space<vmem>> -> memref<1x8x8x129xf32, #tpu.memory_space<vmem>>
        %parallel_loop3A_445 = tpu.memref_squeeze %parallel_loop3A_444 : memref<1x8x8x129xf32, #tpu.memory_space<vmem>> -> memref<8x8x129xf32, #tpu.memory_space<vmem>>
        tpu.vector_store_idx %parallel_loop3A_445[%shift_right_arithmetic3A_17, %and3A_40, %parallel_loop3A_391], %parallel_loop3A_439 : memref<8x8x129xf32, #tpu.memory_space<vmem>>[vector<16xi32>, vector<16xi32>, vector<16xi32>], vector<16xf32>,
        %parallel_loop3A_446 = arith.constant 0 : i32
        %parallel_loop3A_447 = arith.index_cast %parallel_loop3A_446 : i32 to index
        %parallel_loop3A_448 = arith.index_cast %parallel_loop3A_390 : i32 to index
        %parallel_loop3A_449 = arith.constant 48 : index
        %parallel_loop3A_450 = tpu.vector_load %arg10[%parallel_loop3A_447, %parallel_loop3A_448, %parallel_loop3A_449] {strides = array<i32>} : memref<2x128x64xf32, #tpu.memory_space<vmem>>, vector<16xf32>,
        %parallel_loop3A_451 = arith.constant 0 : i32
        %parallel_loop3A_452 = arith.index_cast %parallel_loop3A_451 : i32 to index
        %parallel_loop3A_453 = arith.index_cast %parallel_loop3A_390 : i32 to index
        %parallel_loop3A_454 = arith.constant 48 : index
        %parallel_loop3A_455 = tpu.vector_load %arg11[%parallel_loop3A_452, %parallel_loop3A_453, %parallel_loop3A_454] {strides = array<i32>} : memref<2x128x64xf32, #tpu.memory_space<vmem>>, vector<16xf32>,
        %parallel_loop3A_456 = arith.addf %parallel_loop3A_450, %parallel_loop3A_455 : vector<16xf32>
        %parallel_loop3A_457 = arith.addf %parallel_loop3A_456, %get3A_290 : vector<16xf32>
        %parallel_loop3A_458 = arith.constant 0 : i32
        %parallel_loop3A_459 = arith.constant 0 : i32
        %parallel_loop3A_460 = arith.constant 0 : i32
        %parallel_loop3A_461 = arith.constant 0 : i32
        %parallel_loop3A_462 = tpu.memref_slice %arg12[%parallel_loop3A_458, %parallel_loop3A_459, %parallel_loop3A_460, %parallel_loop3A_461] : memref<2x8x8x129xf32, #tpu.memory_space<vmem>> -> memref<1x8x8x129xf32, #tpu.memory_space<vmem>>
        %parallel_loop3A_463 = tpu.memref_squeeze %parallel_loop3A_462 : memref<1x8x8x129xf32, #tpu.memory_space<vmem>> -> memref<8x8x129xf32, #tpu.memory_space<vmem>>
        tpu.vector_store_idx %parallel_loop3A_463[%shift_right_arithmetic3A_23, %and3A_46, %parallel_loop3A_391], %parallel_loop3A_457 : memref<8x8x129xf32, #tpu.memory_space<vmem>>[vector<16xi32>, vector<16xi32>, vector<16xi32>], vector<16xf32>,
      } {sc.loop_unroll_factor = 4 : i64, sc.parallel_access}
      %dma_start3A_293 = arith.constant 0 : i32
      %dma_start3A_294 = arith.constant 0 : i32
      %dma_start3A_295 = arith.constant 0 : i32
      %dma_start3A_296 = arith.constant 0 : i32
      %dma_start3A_297 = tpu.memref_slice %arg12[%dma_start3A_293, %dma_start3A_294, %dma_start3A_295, %dma_start3A_296] : memref<2x8x8x129xf32, #tpu.memory_space<vmem>> -> memref<1x8x8x128xf32, #tpu.memory_space<vmem>>
      %dma_start3A_298 = tpu.memref_squeeze %dma_start3A_297 : memref<1x8x8x128xf32, #tpu.memory_space<vmem>> -> memref<8x8x128xf32, #tpu.memory_space<vmem>>
      %dma_start3A_299 = arith.constant 0 : i32
      %dma_start3A_300 = arith.constant 0 : i32
      %dma_start3A_301 = arith.constant 0 : i32
      %dma_start3A_302 = tpu.memref_slice %arg7[%add3A_244, %dma_start3A_299, %add3A, %dma_start3A_300, %dma_start3A_301] : memref<200x8x32x8x128xf32, #tpu.memory_space<hbm>> -> memref<1x8x1x8x128xf32, #tpu.memory_space<hbm>>
      %dma_start3A_303 = tpu.memref_squeeze %dma_start3A_302 : memref<1x8x1x8x128xf32, #tpu.memory_space<hbm>> -> memref<8x8x128xf32, #tpu.memory_space<hbm>>
      %dma_start3A_304 = arith.constant 0 : i32
      %dma_start3A_305 = arith.constant 0 : i32
      %dma_start3A_306 = arith.constant 0 : i32
      %dma_start3A_307 = tpu.memref_slice %arg7[%add3A_244, %dma_start3A_304, %add3A, %dma_start3A_305, %dma_start3A_306] : memref<200x8x32x8x128xf32, #tpu.memory_space<hbm>> -> memref<1x8x1x8x128xf32, #tpu.memory_space<hbm>>
      %dma_start3A_308 = tpu.memref_squeeze %dma_start3A_307 : memref<1x8x1x8x128xf32, #tpu.memory_space<hbm>> -> memref<8x8x128xf32, #tpu.memory_space<hbm>>
      %dma_start3A_309 = arith.constant 0 : i32
      %dma_start3A_310 = arith.constant 0 : i32
      %dma_start3A_311 = arith.constant 0 : i32
      %dma_start3A_312 = tpu.memref_slice %arg12[%dma_start3A_293, %dma_start3A_309, %dma_start3A_310, %dma_start3A_311] : memref<2x8x8x129xf32, #tpu.memory_space<vmem>> -> memref<1x8x8x128xf32, #tpu.memory_space<vmem>>
      %dma_start3A_313 = tpu.memref_squeeze %dma_start3A_312 : memref<1x8x8x128xf32, #tpu.memory_space<vmem>> -> memref<8x8x128xf32, #tpu.memory_space<vmem>>
      tpu.enqueue_dma source(%dma_start3A_313 : memref<8x8x128xf32, #tpu.memory_space<vmem>>) target(%dma_start3A_308 : memref<8x8x128xf32, #tpu.memory_space<hbm>>) target_semaphore(%arg16 : memref<!tpu.dma_semaphore, #tpu.memory_space<semaphore_mem>>)
      %add3A_314 = arith.constant 1 : i32
      %add3A_315 = arith.addi %add3A_242, %add3A_314 : i32
      %add3A_316 = arith.constant 1 : i32
      %add3A_317 = arith.addi %add3A_315, %add3A_316 : i32
      %lt3A_318 = arith.constant 200 : i32
      %lt3A_319 = arith.cmpi slt, %add3A_317, %lt3A_318 : i32
      %convert_element_type3A_320 = arith.extui %lt3A_319 : i1 to i32
      %cond3A_321 = arith.constant 0 : i32
      %cond3A_322 = arith.cmpi ne, %convert_element_type3A_320, %cond3A_321 : i32
      scf.if %cond3A_322 {
        %shift_right_arithmetic3A_390 = arith.constant 3 : i32
        %shift_right_arithmetic3A_391 = arith.shrsi %add3A_317, %shift_right_arithmetic3A_390 : i32
        %and3A_392 = arith.constant 7 : i32
        %and3A_393 = arith.andi %add3A_317, %and3A_392 : i32
        %get3A_394 = arith.index_cast %shift_right_arithmetic3A_391 : i32 to index
        %get3A_395 = arith.index_cast %and3A_393 : i32 to index
        %get3A_396 = arith.constant 0 : index
        %get3A_397 = tpu.vector_load %arg8[%get3A_394, %get3A_395, %get3A_396] {strides = array<i32>} : memref<25x8x128xi32, #tpu.memory_space<vmem>>, vector<16xi32>,
        %min3A_398 = arith.constant 10000 : i32
        %min3A_399 = vector.broadcast %min3A_398 : i32 to vector<16xi32>
        %min3A_400 = arith.minsi %get3A_397, %min3A_399 : vector<16xi32>
        %swap3A_401 = arith.index_cast %shift_right_arithmetic3A_391 : i32 to index
        %swap3A_402 = arith.index_cast %and3A_393 : i32 to index
        %swap3A_403 = arith.constant 0 : index
        %swap3A_404 = tpu.vector_load %arg8[%swap3A_401, %swap3A_402, %swap3A_403] {strides = array<i32>} : memref<25x8x128xi32, #tpu.memory_space<vmem>>, vector<16xi32>,
        tpu.vector_store %arg8[%swap3A_401, %swap3A_402, %swap3A_403], %min3A_400 {strides = array<i32>} : memref<25x8x128xi32, #tpu.memory_space<vmem>>, vector<16xi32>,
        %get3A_405 = arith.index_cast %shift_right_arithmetic3A_391 : i32 to index
        %get3A_406 = arith.index_cast %and3A_393 : i32 to index
        %get3A_407 = arith.constant 16 : index
        %get3A_408 = tpu.vector_load %arg8[%get3A_405, %get3A_406, %get3A_407] {strides = array<i32>} : memref<25x8x128xi32, #tpu.memory_space<vmem>>, vector<16xi32>,
        %min3A_409 = arith.constant 10000 : i32
        %min3A_410 = vector.broadcast %min3A_409 : i32 to vector<16xi32>
        %min3A_411 = arith.minsi %get3A_408, %min3A_410 : vector<16xi32>
        %swap3A_412 = arith.index_cast %shift_right_arithmetic3A_391 : i32 to index
        %swap3A_413 = arith.index_cast %and3A_393 : i32 to index
        %swap3A_414 = arith.constant 16 : index
        %swap3A_415 = tpu.vector_load %arg8[%swap3A_412, %swap3A_413, %swap3A_414] {strides = array<i32>} : memref<25x8x128xi32, #tpu.memory_space<vmem>>, vector<16xi32>,
        tpu.vector_store %arg8[%swap3A_412, %swap3A_413, %swap3A_414], %min3A_411 {strides = array<i32>} : memref<25x8x128xi32, #tpu.memory_space<vmem>>, vector<16xi32>,
        %get3A_416 = arith.index_cast %shift_right_arithmetic3A_391 : i32 to index
        %get3A_417 = arith.index_cast %and3A_393 : i32 to index
        %get3A_418 = arith.constant 32 : index
        %get3A_419 = tpu.vector_load %arg8[%get3A_416, %get3A_417, %get3A_418] {strides = array<i32>} : memref<25x8x128xi32, #tpu.memory_space<vmem>>, vector<16xi32>,
        %min3A_420 = arith.constant 10000 : i32
        %min3A_421 = vector.broadcast %min3A_420 : i32 to vector<16xi32>
        %min3A_422 = arith.minsi %get3A_419, %min3A_421 : vector<16xi32>
        %swap3A_423 = arith.index_cast %shift_right_arithmetic3A_391 : i32 to index
        %swap3A_424 = arith.index_cast %and3A_393 : i32 to index
        %swap3A_425 = arith.constant 32 : index
        %swap3A_426 = tpu.vector_load %arg8[%swap3A_423, %swap3A_424, %swap3A_425] {strides = array<i32>} : memref<25x8x128xi32, #tpu.memory_space<vmem>>, vector<16xi32>,
        tpu.vector_store %arg8[%swap3A_423, %swap3A_424, %swap3A_425], %min3A_422 {strides = array<i32>} : memref<25x8x128xi32, #tpu.memory_space<vmem>>, vector<16xi32>,
        %get3A_427 = arith.index_cast %shift_right_arithmetic3A_391 : i32 to index
        %get3A_428 = arith.index_cast %and3A_393 : i32 to index
        %get3A_429 = arith.constant 48 : index
        %get3A_430 = tpu.vector_load %arg8[%get3A_427, %get3A_428, %get3A_429] {strides = array<i32>} : memref<25x8x128xi32, #tpu.memory_space<vmem>>, vector<16xi32>,
        %min3A_431 = arith.constant 10000 : i32
        %min3A_432 = vector.broadcast %min3A_431 : i32 to vector<16xi32>
        %min3A_433 = arith.minsi %get3A_430, %min3A_432 : vector<16xi32>
        %swap3A_434 = arith.index_cast %shift_right_arithmetic3A_391 : i32 to index
        %swap3A_435 = arith.index_cast %and3A_393 : i32 to index
        %swap3A_436 = arith.constant 48 : index
        %swap3A_437 = tpu.vector_load %arg8[%swap3A_434, %swap3A_435, %swap3A_436] {strides = array<i32>} : memref<25x8x128xi32, #tpu.memory_space<vmem>>, vector<16xi32>,
        tpu.vector_store %arg8[%swap3A_434, %swap3A_435, %swap3A_436], %min3A_433 {strides = array<i32>} : memref<25x8x128xi32, #tpu.memory_space<vmem>>, vector<16xi32>,
        %get3A_438 = arith.index_cast %shift_right_arithmetic3A_391 : i32 to index
        %get3A_439 = arith.index_cast %and3A_393 : i32 to index
        %get3A_440 = arith.constant 64 : index
        %get3A_441 = tpu.vector_load %arg8[%get3A_438, %get3A_439, %get3A_440] {strides = array<i32>} : memref<25x8x128xi32, #tpu.memory_space<vmem>>, vector<16xi32>,
        %min3A_442 = arith.constant 10000 : i32
        %min3A_443 = vector.broadcast %min3A_442 : i32 to vector<16xi32>
        %min3A_444 = arith.minsi %get3A_441, %min3A_443 : vector<16xi32>
        %swap3A_445 = arith.index_cast %shift_right_arithmetic3A_391 : i32 to index
        %swap3A_446 = arith.index_cast %and3A_393 : i32 to index
        %swap3A_447 = arith.constant 64 : index
        %swap3A_448 = tpu.vector_load %arg8[%swap3A_445, %swap3A_446, %swap3A_447] {strides = array<i32>} : memref<25x8x128xi32, #tpu.memory_space<vmem>>, vector<16xi32>,
        tpu.vector_store %arg8[%swap3A_445, %swap3A_446, %swap3A_447], %min3A_444 {strides = array<i32>} : memref<25x8x128xi32, #tpu.memory_space<vmem>>, vector<16xi32>,
        %get3A_449 = arith.index_cast %shift_right_arithmetic3A_391 : i32 to index
        %get3A_450 = arith.index_cast %and3A_393 : i32 to index
        %get3A_451 = arith.constant 80 : index
        %get3A_452 = tpu.vector_load %arg8[%get3A_449, %get3A_450, %get3A_451] {strides = array<i32>} : memref<25x8x128xi32, #tpu.memory_space<vmem>>, vector<16xi32>,
        %min3A_453 = arith.constant 10000 : i32
        %min3A_454 = vector.broadcast %min3A_453 : i32 to vector<16xi32>
        %min3A_455 = arith.minsi %get3A_452, %min3A_454 : vector<16xi32>
        %swap3A_456 = arith.index_cast %shift_right_arithmetic3A_391 : i32 to index
        %swap3A_457 = arith.index_cast %and3A_393 : i32 to index
        %swap3A_458 = arith.constant 80 : index
        %swap3A_459 = tpu.vector_load %arg8[%swap3A_456, %swap3A_457, %swap3A_458] {strides = array<i32>} : memref<25x8x128xi32, #tpu.memory_space<vmem>>, vector<16xi32>,
        tpu.vector_store %arg8[%swap3A_456, %swap3A_457, %swap3A_458], %min3A_455 {strides = array<i32>} : memref<25x8x128xi32, #tpu.memory_space<vmem>>, vector<16xi32>,
        %get3A_460 = arith.index_cast %shift_right_arithmetic3A_391 : i32 to index
        %get3A_461 = arith.index_cast %and3A_393 : i32 to index
        %get3A_462 = arith.constant 96 : index
        %get3A_463 = tpu.vector_load %arg8[%get3A_460, %get3A_461, %get3A_462] {strides = array<i32>} : memref<25x8x128xi32, #tpu.memory_space<vmem>>, vector<16xi32>,
        %min3A_464 = arith.constant 10000 : i32
        %min3A_465 = vector.broadcast %min3A_464 : i32 to vector<16xi32>
        %min3A_466 = arith.minsi %get3A_463, %min3A_465 : vector<16xi32>
        %swap3A_467 = arith.index_cast %shift_right_arithmetic3A_391 : i32 to index
        %swap3A_468 = arith.index_cast %and3A_393 : i32 to index
        %swap3A_469 = arith.constant 96 : index
        %swap3A_470 = tpu.vector_load %arg8[%swap3A_467, %swap3A_468, %swap3A_469] {strides = array<i32>} : memref<25x8x128xi32, #tpu.memory_space<vmem>>, vector<16xi32>,
        tpu.vector_store %arg8[%swap3A_467, %swap3A_468, %swap3A_469], %min3A_466 {strides = array<i32>} : memref<25x8x128xi32, #tpu.memory_space<vmem>>, vector<16xi32>,
        %get3A_471 = arith.index_cast %shift_right_arithmetic3A_391 : i32 to index
        %get3A_472 = arith.index_cast %and3A_393 : i32 to index
        %get3A_473 = arith.constant 112 : index
        %get3A_474 = tpu.vector_load %arg8[%get3A_471, %get3A_472, %get3A_473] {strides = array<i32>} : memref<25x8x128xi32, #tpu.memory_space<vmem>>, vector<16xi32>,
        %min3A_475 = arith.constant 10000 : i32
        %min3A_476 = vector.broadcast %min3A_475 : i32 to vector<16xi32>
        %min3A_477 = arith.minsi %get3A_474, %min3A_476 : vector<16xi32>
        %swap3A_478 = arith.index_cast %shift_right_arithmetic3A_391 : i32 to index
        %swap3A_479 = arith.index_cast %and3A_393 : i32 to index
        %swap3A_480 = arith.constant 112 : index
        %swap3A_481 = tpu.vector_load %arg8[%swap3A_478, %swap3A_479, %swap3A_480] {strides = array<i32>} : memref<25x8x128xi32, #tpu.memory_space<vmem>>, vector<16xi32>,
        tpu.vector_store %arg8[%swap3A_478, %swap3A_479, %swap3A_480], %min3A_477 {strides = array<i32>} : memref<25x8x128xi32, #tpu.memory_space<vmem>>, vector<16xi32>,
        %shift_right_arithmetic3A_482 = arith.constant 3 : i32
        %shift_right_arithmetic3A_483 = arith.shrsi %add3A_317, %shift_right_arithmetic3A_482 : i32
        %and3A_484 = arith.constant 7 : i32
        %and3A_485 = arith.andi %add3A_317, %and3A_484 : i32
        %dma_start3A_486 = arith.constant 0 : i32
        %dma_start3A_487 = arith.constant 0 : i32
        %dma_start3A_488 = arith.constant 0 : i32
        %dma_start3A_489 = tpu.memref_slice %arg10[%dma_start3A_486, %dma_start3A_487, %dma_start3A_488] : memref<2x128x64xf32, #tpu.memory_space<vmem>> -> memref<1x128x64xf32, #tpu.memory_space<vmem>>
        %dma_start3A_490 = tpu.memref_squeeze %dma_start3A_489 : memref<1x128x64xf32, #tpu.memory_space<vmem>> -> memref<128x64xf32, #tpu.memory_space<vmem>>
        %dma_start3A_491 = arith.constant 0 : i32
        %dma_start3A_492 = tpu.memref_slice %arg8[%shift_right_arithmetic3A_483, %and3A_485, %dma_start3A_491] : memref<25x8x128xi32, #tpu.memory_space<vmem>> -> memref<1x1x128xi32, #tpu.memory_space<vmem>>
        %dma_start3A_493 = tpu.memref_squeeze %dma_start3A_492 : memref<1x1x128xi32, #tpu.memory_space<vmem>> -> memref<128xi32, #tpu.memory_space<vmem>>
        %dma_start3A_494 = arith.constant 0 : i32
        %dma_start3A_495 = arith.constant 0 : i32
        %dma_start3A_496 = tpu.memref_slice %arg4[%dma_start3A_494, %dma_start3A_495] : memref<10004x64xf32, #tpu.memory_space<hbm>> -> memref<10004x64xf32, #tpu.memory_space<hbm>>
        tpu.enqueue_indirect_dma source(%dma_start3A_496 : memref<10004x64xf32, #tpu.memory_space<hbm>>) target(%dma_start3A_490 : memref<128x64xf32, #tpu.memory_space<vmem>>) offsets(%dma_start3A_493 : memref<128xi32, #tpu.memory_space<vmem>>) semaphore(%arg14 : memref<!tpu.dma_semaphore, #tpu.memory_space<semaphore_mem>>)
        %dma_start3A_497 = arith.constant 0 : i32
        %dma_start3A_498 = arith.constant 0 : i32
        %dma_start3A_499 = arith.constant 0 : i32
        %dma_start3A_500 = tpu.memref_slice %arg11[%dma_start3A_497, %dma_start3A_498, %dma_start3A_499] : memref<2x128x64xf32, #tpu.memory_space<vmem>> -> memref<1x128x64xf32, #tpu.memory_space<vmem>>
        %dma_start3A_501 = tpu.memref_squeeze %dma_start3A_500 : memref<1x128x64xf32, #tpu.memory_space<vmem>> -> memref<128x64xf32, #tpu.memory_space<vmem>>
        %dma_start3A_502 = arith.constant 0 : i32
        %dma_start3A_503 = tpu.memref_slice %arg9[%shift_right_arithmetic3A_483, %and3A_485, %dma_start3A_502] : memref<25x8x128xi32, #tpu.memory_space<vmem>> -> memref<1x1x128xi32, #tpu.memory_space<vmem>>
        %dma_start3A_504 = tpu.memref_squeeze %dma_start3A_503 : memref<1x1x128xi32, #tpu.memory_space<vmem>> -> memref<128xi32, #tpu.memory_space<vmem>>
        %dma_start3A_505 = arith.constant 0 : i32
        %dma_start3A_506 = arith.constant 0 : i32
        %dma_start3A_507 = tpu.memref_slice %arg5[%dma_start3A_505, %dma_start3A_506] : memref<100003x64xf32, #tpu.memory_space<hbm>> -> memref<100003x64xf32, #tpu.memory_space<hbm>>
        tpu.enqueue_indirect_dma source(%dma_start3A_507 : memref<100003x64xf32, #tpu.memory_space<hbm>>) target(%dma_start3A_501 : memref<128x64xf32, #tpu.memory_space<vmem>>) offsets(%dma_start3A_504 : memref<128xi32, #tpu.memory_space<vmem>>) semaphore(%arg14 : memref<!tpu.dma_semaphore, #tpu.memory_space<semaphore_mem>>)
      } else {
      }
      %dma_wait3A_323 = arith.constant 0 : i32
      %dma_wait3A_324 = arith.constant 0 : i32
      %dma_wait3A_325 = arith.constant 1 : i32
      %dma_wait3A_326 = arith.constant 0 : i32
      %dma_wait3A_327 = arith.constant 0 : i32
      %dma_wait3A_328 = tpu.memref_slice %arg10[%dma_wait3A_325, %dma_wait3A_326, %dma_wait3A_327] : memref<2x128x64xf32, #tpu.memory_space<vmem>> -> memref<1x128x64xf32, #tpu.memory_space<vmem>>
      %dma_wait3A_329 = tpu.memref_squeeze %dma_wait3A_328 : memref<1x128x64xf32, #tpu.memory_space<vmem>> -> memref<128x64xf32, #tpu.memory_space<vmem>>
      %dma_wait3A_330 = arith.constant 0 : i32
      %dma_wait3A_331 = tpu.memref_slice %arg8[%dma_wait3A_323, %dma_wait3A_324, %dma_wait3A_330] : memref<25x8x128xi32, #tpu.memory_space<vmem>> -> memref<1x1x128xi32, #tpu.memory_space<vmem>>
      %dma_wait3A_332 = tpu.memref_squeeze %dma_wait3A_331 : memref<1x1x128xi32, #tpu.memory_space<vmem>> -> memref<128xi32, #tpu.memory_space<vmem>>
      %dma_wait3A_333 = arith.constant 0 : i32
      %dma_wait3A_334 = arith.constant 0 : i32
      %dma_wait3A_335 = tpu.memref_slice %arg4[%dma_wait3A_333, %dma_wait3A_334] : memref<10004x64xf32, #tpu.memory_space<hbm>> -> memref<10004x64xf32, #tpu.memory_space<hbm>>
      tpu.wait_indirect_dma semaphore(%arg15 : memref<!tpu.dma_semaphore, #tpu.memory_space<semaphore_mem>>) src(%dma_wait3A_335 : memref<10004x64xf32, #tpu.memory_space<hbm>>) dst(%dma_wait3A_329 : memref<128x64xf32, #tpu.memory_space<vmem>>)
      %dma_wait3A_336 = arith.constant 0 : i32
      %dma_wait3A_337 = arith.constant 0 : i32
      %dma_wait3A_338 = arith.constant 1 : i32
      %dma_wait3A_339 = arith.constant 0 : i32
      %dma_wait3A_340 = arith.constant 0 : i32
      %dma_wait3A_341 = tpu.memref_slice %arg11[%dma_wait3A_338, %dma_wait3A_339, %dma_wait3A_340] : memref<2x128x64xf32, #tpu.memory_space<vmem>> -> memref<1x128x64xf32, #tpu.memory_space<vmem>>
      %dma_wait3A_342 = tpu.memref_squeeze %dma_wait3A_341 : memref<1x128x64xf32, #tpu.memory_space<vmem>> -> memref<128x64xf32, #tpu.memory_space<vmem>>
      %dma_wait3A_343 = arith.constant 0 : i32
      %dma_wait3A_344 = tpu.memref_slice %arg9[%dma_wait3A_336, %dma_wait3A_337, %dma_wait3A_343] : memref<25x8x128xi32, #tpu.memory_space<vmem>> -> memref<1x1x128xi32, #tpu.memory_space<vmem>>
      %dma_wait3A_345 = tpu.memref_squeeze %dma_wait3A_344 : memref<1x1x128xi32, #tpu.memory_space<vmem>> -> memref<128xi32, #tpu.memory_space<vmem>>
      %dma_wait3A_346 = arith.constant 0 : i32
      %dma_wait3A_347 = arith.constant 0 : i32
      %dma_wait3A_348 = tpu.memref_slice %arg5[%dma_wait3A_346, %dma_wait3A_347] : memref<100003x64xf32, #tpu.memory_space<hbm>> -> memref<100003x64xf32, #tpu.memory_space<hbm>>
      tpu.wait_indirect_dma semaphore(%arg15 : memref<!tpu.dma_semaphore, #tpu.memory_space<semaphore_mem>>) src(%dma_wait3A_348 : memref<100003x64xf32, #tpu.memory_space<hbm>>) dst(%dma_wait3A_342 : memref<128x64xf32, #tpu.memory_space<vmem>>)
      %ge3A_349 = arith.constant 2 : i32
      %ge3A_350 = arith.cmpi sge, %add3A_315, %ge3A_349 : i32
      %convert_element_type3A_351 = arith.extui %ge3A_350 : i1 to i32
      %cond3A_352 = arith.constant 0 : i32
      %cond3A_353 = arith.cmpi ne, %convert_element_type3A_351, %cond3A_352 : i32
      scf.if %cond3A_353 {
        %dma_wait3A_390 = arith.constant 1 : i32
        %dma_wait3A_391 = arith.constant 0 : i32
        %dma_wait3A_392 = arith.constant 0 : i32
        %dma_wait3A_393 = arith.constant 0 : i32
        %dma_wait3A_394 = arith.constant 0 : i32
        %dma_wait3A_395 = arith.constant 0 : i32
        %dma_wait3A_396 = tpu.memref_slice %arg12[%dma_wait3A_390, %dma_wait3A_393, %dma_wait3A_394, %dma_wait3A_395] : memref<2x8x8x129xf32, #tpu.memory_space<vmem>> -> memref<1x8x8x128xf32, #tpu.memory_space<vmem>>
        %dma_wait3A_397 = tpu.memref_squeeze %dma_wait3A_396 : memref<1x8x8x128xf32, #tpu.memory_space<vmem>> -> memref<8x8x128xf32, #tpu.memory_space<vmem>>
        %dma_wait3A_398 = arith.constant 0 : i32
        %dma_wait3A_399 = arith.constant 0 : i32
        %dma_wait3A_400 = arith.constant 0 : i32
        %dma_wait3A_401 = tpu.memref_slice %arg7[%dma_wait3A_391, %dma_wait3A_398, %dma_wait3A_392, %dma_wait3A_399, %dma_wait3A_400] : memref<200x8x32x8x128xf32, #tpu.memory_space<hbm>> -> memref<1x8x1x8x128xf32, #tpu.memory_space<hbm>>
        %dma_wait3A_402 = tpu.memref_squeeze %dma_wait3A_401 : memref<1x8x1x8x128xf32, #tpu.memory_space<hbm>> -> memref<8x8x128xf32, #tpu.memory_space<hbm>>
        %dma_wait3A_403 = arith.constant 0 : i32
        %dma_wait3A_404 = arith.constant 0 : i32
        %dma_wait3A_405 = arith.constant 0 : i32
        %dma_wait3A_406 = tpu.memref_slice %arg7[%dma_wait3A_391, %dma_wait3A_403, %dma_wait3A_392, %dma_wait3A_404, %dma_wait3A_405] : memref<200x8x32x8x128xf32, #tpu.memory_space<hbm>> -> memref<1x8x1x8x128xf32, #tpu.memory_space<hbm>>
        %dma_wait3A_407 = tpu.memref_squeeze %dma_wait3A_406 : memref<1x8x1x8x128xf32, #tpu.memory_space<hbm>> -> memref<8x8x128xf32, #tpu.memory_space<hbm>>
        %dma_wait3A_408 = arith.constant 0 : i32
        %dma_wait3A_409 = arith.constant 0 : i32
        %dma_wait3A_410 = arith.constant 0 : i32
        %dma_wait3A_411 = tpu.memref_slice %arg12[%dma_wait3A_390, %dma_wait3A_408, %dma_wait3A_409, %dma_wait3A_410] : memref<2x8x8x129xf32, #tpu.memory_space<vmem>> -> memref<1x8x8x128xf32, #tpu.memory_space<vmem>>
        %dma_wait3A_412 = tpu.memref_squeeze %dma_wait3A_411 : memref<1x8x8x128xf32, #tpu.memory_space<vmem>> -> memref<8x8x128xf32, #tpu.memory_space<vmem>>
        tpu.wait_dma2 semaphore(%arg17 : memref<!tpu.dma_semaphore, #tpu.memory_space<semaphore_mem>>) src(%dma_wait3A_412 : memref<8x8x128xf32, #tpu.memory_space<vmem>>) dst(%dma_wait3A_407 : memref<8x8x128xf32, #tpu.memory_space<hbm>>)
      } else {
      }
      %get3A_354 = arith.index_cast %add3A_315 : i32 to index
      %get3A_355 = arith.constant 0 : index
      %get3A_356 = tpu.vector_load %arg13[%get3A_354, %get3A_355] {strides = array<i32>} : memref<200x64xf32, #tpu.memory_space<vmem>>, vector<16xf32>,
      %get3A_357 = arith.index_cast %add3A_315 : i32 to index
      %get3A_358 = arith.constant 16 : index
      %get3A_359 = tpu.vector_load %arg13[%get3A_357, %get3A_358] {strides = array<i32>} : memref<200x64xf32, #tpu.memory_space<vmem>>, vector<16xf32>,
      %get3A_360 = arith.index_cast %add3A_315 : i32 to index
      %get3A_361 = arith.constant 32 : index
      %get3A_362 = tpu.vector_load %arg13[%get3A_360, %get3A_361] {strides = array<i32>} : memref<200x64xf32, #tpu.memory_space<vmem>>, vector<16xf32>,
      %get3A_363 = arith.index_cast %add3A_315 : i32 to index
      %get3A_364 = arith.constant 48 : index
      %get3A_365 = tpu.vector_load %arg13[%get3A_363, %get3A_364] {strides = array<i32>} : memref<200x64xf32, #tpu.memory_space<vmem>>, vector<16xf32>,
      %parallel_loop3A_366 = arith.constant 0 : i32
      %parallel_loop3A_367 = arith.constant 128 : i32
      %parallel_loop3A_368 = arith.constant 1 : i32
      scf.for %parallel_loop3A_390 = %parallel_loop3A_366 to %parallel_loop3A_367 step %parallel_loop3A_368  : i32 {
        %parallel_loop3A_391 = vector.broadcast %parallel_loop3A_390 : i32 to vector<16xi32>
        %parallel_loop3A_392 = arith.constant 1 : i32
        %parallel_loop3A_393 = arith.index_cast %parallel_loop3A_392 : i32 to index
        %parallel_loop3A_394 = arith.index_cast %parallel_loop3A_390 : i32 to index
        %parallel_loop3A_395 = arith.constant 0 : index
        %parallel_loop3A_396 = tpu.vector_load %arg10[%parallel_loop3A_393, %parallel_loop3A_394, %parallel_loop3A_395] {strides = array<i32>} : memref<2x128x64xf32, #tpu.memory_space<vmem>>, vector<16xf32>,
        %parallel_loop3A_397 = arith.constant 1 : i32
        %parallel_loop3A_398 = arith.index_cast %parallel_loop3A_397 : i32 to index
        %parallel_loop3A_399 = arith.index_cast %parallel_loop3A_390 : i32 to index
        %parallel_loop3A_400 = arith.constant 0 : index
        %parallel_loop3A_401 = tpu.vector_load %arg11[%parallel_loop3A_398, %parallel_loop3A_399, %parallel_loop3A_400] {strides = array<i32>} : memref<2x128x64xf32, #tpu.memory_space<vmem>>, vector<16xf32>,
        %parallel_loop3A_402 = arith.addf %parallel_loop3A_396, %parallel_loop3A_401 : vector<16xf32>
        %parallel_loop3A_403 = arith.addf %parallel_loop3A_402, %get3A_356 : vector<16xf32>
        %parallel_loop3A_404 = arith.constant 1 : i32
        %parallel_loop3A_405 = arith.constant 0 : i32
        %parallel_loop3A_406 = arith.constant 0 : i32
        %parallel_loop3A_407 = arith.constant 0 : i32
        %parallel_loop3A_408 = tpu.memref_slice %arg12[%parallel_loop3A_404, %parallel_loop3A_405, %parallel_loop3A_406, %parallel_loop3A_407] : memref<2x8x8x129xf32, #tpu.memory_space<vmem>> -> memref<1x8x8x129xf32, #tpu.memory_space<vmem>>
        %parallel_loop3A_409 = tpu.memref_squeeze %parallel_loop3A_408 : memref<1x8x8x129xf32, #tpu.memory_space<vmem>> -> memref<8x8x129xf32, #tpu.memory_space<vmem>>
        tpu.vector_store_idx %parallel_loop3A_409[%shift_right_arithmetic3A_5, %and3A_28, %parallel_loop3A_391], %parallel_loop3A_403 : memref<8x8x129xf32, #tpu.memory_space<vmem>>[vector<16xi32>, vector<16xi32>, vector<16xi32>], vector<16xf32>,
        %parallel_loop3A_410 = arith.constant 1 : i32
        %parallel_loop3A_411 = arith.index_cast %parallel_loop3A_410 : i32 to index
        %parallel_loop3A_412 = arith.index_cast %parallel_loop3A_390 : i32 to index
        %parallel_loop3A_413 = arith.constant 16 : index
        %parallel_loop3A_414 = tpu.vector_load %arg10[%parallel_loop3A_411, %parallel_loop3A_412, %parallel_loop3A_413] {strides = array<i32>} : memref<2x128x64xf32, #tpu.memory_space<vmem>>, vector<16xf32>,
        %parallel_loop3A_415 = arith.constant 1 : i32
        %parallel_loop3A_416 = arith.index_cast %parallel_loop3A_415 : i32 to index
        %parallel_loop3A_417 = arith.index_cast %parallel_loop3A_390 : i32 to index
        %parallel_loop3A_418 = arith.constant 16 : index
        %parallel_loop3A_419 = tpu.vector_load %arg11[%parallel_loop3A_416, %parallel_loop3A_417, %parallel_loop3A_418] {strides = array<i32>} : memref<2x128x64xf32, #tpu.memory_space<vmem>>, vector<16xf32>,
        %parallel_loop3A_420 = arith.addf %parallel_loop3A_414, %parallel_loop3A_419 : vector<16xf32>
        %parallel_loop3A_421 = arith.addf %parallel_loop3A_420, %get3A_359 : vector<16xf32>
        %parallel_loop3A_422 = arith.constant 1 : i32
        %parallel_loop3A_423 = arith.constant 0 : i32
        %parallel_loop3A_424 = arith.constant 0 : i32
        %parallel_loop3A_425 = arith.constant 0 : i32
        %parallel_loop3A_426 = tpu.memref_slice %arg12[%parallel_loop3A_422, %parallel_loop3A_423, %parallel_loop3A_424, %parallel_loop3A_425] : memref<2x8x8x129xf32, #tpu.memory_space<vmem>> -> memref<1x8x8x129xf32, #tpu.memory_space<vmem>>
        %parallel_loop3A_427 = tpu.memref_squeeze %parallel_loop3A_426 : memref<1x8x8x129xf32, #tpu.memory_space<vmem>> -> memref<8x8x129xf32, #tpu.memory_space<vmem>>
        tpu.vector_store_idx %parallel_loop3A_427[%shift_right_arithmetic3A_11, %and3A_34, %parallel_loop3A_391], %parallel_loop3A_421 : memref<8x8x129xf32, #tpu.memory_space<vmem>>[vector<16xi32>, vector<16xi32>, vector<16xi32>], vector<16xf32>,
        %parallel_loop3A_428 = arith.constant 1 : i32
        %parallel_loop3A_429 = arith.index_cast %parallel_loop3A_428 : i32 to index
        %parallel_loop3A_430 = arith.index_cast %parallel_loop3A_390 : i32 to index
        %parallel_loop3A_431 = arith.constant 32 : index
        %parallel_loop3A_432 = tpu.vector_load %arg10[%parallel_loop3A_429, %parallel_loop3A_430, %parallel_loop3A_431] {strides = array<i32>} : memref<2x128x64xf32, #tpu.memory_space<vmem>>, vector<16xf32>,
        %parallel_loop3A_433 = arith.constant 1 : i32
        %parallel_loop3A_434 = arith.index_cast %parallel_loop3A_433 : i32 to index
        %parallel_loop3A_435 = arith.index_cast %parallel_loop3A_390 : i32 to index
        %parallel_loop3A_436 = arith.constant 32 : index
        %parallel_loop3A_437 = tpu.vector_load %arg11[%parallel_loop3A_434, %parallel_loop3A_435, %parallel_loop3A_436] {strides = array<i32>} : memref<2x128x64xf32, #tpu.memory_space<vmem>>, vector<16xf32>,
        %parallel_loop3A_438 = arith.addf %parallel_loop3A_432, %parallel_loop3A_437 : vector<16xf32>
        %parallel_loop3A_439 = arith.addf %parallel_loop3A_438, %get3A_362 : vector<16xf32>
        %parallel_loop3A_440 = arith.constant 1 : i32
        %parallel_loop3A_441 = arith.constant 0 : i32
        %parallel_loop3A_442 = arith.constant 0 : i32
        %parallel_loop3A_443 = arith.constant 0 : i32
        %parallel_loop3A_444 = tpu.memref_slice %arg12[%parallel_loop3A_440, %parallel_loop3A_441, %parallel_loop3A_442, %parallel_loop3A_443] : memref<2x8x8x129xf32, #tpu.memory_space<vmem>> -> memref<1x8x8x129xf32, #tpu.memory_space<vmem>>
        %parallel_loop3A_445 = tpu.memref_squeeze %parallel_loop3A_444 : memref<1x8x8x129xf32, #tpu.memory_space<vmem>> -> memref<8x8x129xf32, #tpu.memory_space<vmem>>
        tpu.vector_store_idx %parallel_loop3A_445[%shift_right_arithmetic3A_17, %and3A_40, %parallel_loop3A_391], %parallel_loop3A_439 : memref<8x8x129xf32, #tpu.memory_space<vmem>>[vector<16xi32>, vector<16xi32>, vector<16xi32>], vector<16xf32>,
        %parallel_loop3A_446 = arith.constant 1 : i32
        %parallel_loop3A_447 = arith.index_cast %parallel_loop3A_446 : i32 to index
        %parallel_loop3A_448 = arith.index_cast %parallel_loop3A_390 : i32 to index
        %parallel_loop3A_449 = arith.constant 48 : index
        %parallel_loop3A_450 = tpu.vector_load %arg10[%parallel_loop3A_447, %parallel_loop3A_448, %parallel_loop3A_449] {strides = array<i32>} : memref<2x128x64xf32, #tpu.memory_space<vmem>>, vector<16xf32>,
        %parallel_loop3A_451 = arith.constant 1 : i32
        %parallel_loop3A_452 = arith.index_cast %parallel_loop3A_451 : i32 to index
        %parallel_loop3A_453 = arith.index_cast %parallel_loop3A_390 : i32 to index
        %parallel_loop3A_454 = arith.constant 48 : index
        %parallel_loop3A_455 = tpu.vector_load %arg11[%parallel_loop3A_452, %parallel_loop3A_453, %parallel_loop3A_454] {strides = array<i32>} : memref<2x128x64xf32, #tpu.memory_space<vmem>>, vector<16xf32>,
        %parallel_loop3A_456 = arith.addf %parallel_loop3A_450, %parallel_loop3A_455 : vector<16xf32>
        %parallel_loop3A_457 = arith.addf %parallel_loop3A_456, %get3A_365 : vector<16xf32>
        %parallel_loop3A_458 = arith.constant 1 : i32
        %parallel_loop3A_459 = arith.constant 0 : i32
        %parallel_loop3A_460 = arith.constant 0 : i32
        %parallel_loop3A_461 = arith.constant 0 : i32
        %parallel_loop3A_462 = tpu.memref_slice %arg12[%parallel_loop3A_458, %parallel_loop3A_459, %parallel_loop3A_460, %parallel_loop3A_461] : memref<2x8x8x129xf32, #tpu.memory_space<vmem>> -> memref<1x8x8x129xf32, #tpu.memory_space<vmem>>
        %parallel_loop3A_463 = tpu.memref_squeeze %parallel_loop3A_462 : memref<1x8x8x129xf32, #tpu.memory_space<vmem>> -> memref<8x8x129xf32, #tpu.memory_space<vmem>>
        tpu.vector_store_idx %parallel_loop3A_463[%shift_right_arithmetic3A_23, %and3A_46, %parallel_loop3A_391], %parallel_loop3A_457 : memref<8x8x129xf32, #tpu.memory_space<vmem>>[vector<16xi32>, vector<16xi32>, vector<16xi32>], vector<16xf32>,
      } {sc.loop_unroll_factor = 4 : i64, sc.parallel_access}
      %dma_start3A_369 = arith.constant 1 : i32
      %dma_start3A_370 = arith.constant 0 : i32
      %dma_start3A_371 = arith.constant 0 : i32
      %dma_start3A_372 = arith.constant 0 : i32
      %dma_start3A_373 = tpu.memref_slice %arg12[%dma_start3A_369, %dma_start3A_370, %dma_start3A_371, %dma_start3A_372] : memref<2x8x8x129xf32, #tpu.memory_space<vmem>> -> memref<1x8x8x128xf32, #tpu.memory_space<vmem>>
      %dma_start3A_374 = tpu.memref_squeeze %dma_start3A_373 : memref<1x8x8x128xf32, #tpu.memory_space<vmem>> -> memref<8x8x128xf32, #tpu.memory_space<vmem>>
      %dma_start3A_375 = arith.constant 0 : i32
      %dma_start3A_376 = arith.constant 0 : i32
      %dma_start3A_377 = arith.constant 0 : i32
      %dma_start3A_378 = tpu.memref_slice %arg7[%add3A_315, %dma_start3A_375, %add3A, %dma_start3A_376, %dma_start3A_377] : memref<200x8x32x8x128xf32, #tpu.memory_space<hbm>> -> memref<1x8x1x8x128xf32, #tpu.memory_space<hbm>>
      %dma_start3A_379 = tpu.memref_squeeze %dma_start3A_378 : memref<1x8x1x8x128xf32, #tpu.memory_space<hbm>> -> memref<8x8x128xf32, #tpu.memory_space<hbm>>
      %dma_start3A_380 = arith.constant 0 : i32
      %dma_start3A_381 = arith.constant 0 : i32
      %dma_start3A_382 = arith.constant 0 : i32
      %dma_start3A_383 = tpu.memref_slice %arg7[%add3A_315, %dma_start3A_380, %add3A, %dma_start3A_381, %dma_start3A_382] : memref<200x8x32x8x128xf32, #tpu.memory_space<hbm>> -> memref<1x8x1x8x128xf32, #tpu.memory_space<hbm>>
      %dma_start3A_384 = tpu.memref_squeeze %dma_start3A_383 : memref<1x8x1x8x128xf32, #tpu.memory_space<hbm>> -> memref<8x8x128xf32, #tpu.memory_space<hbm>>
      %dma_start3A_385 = arith.constant 0 : i32
      %dma_start3A_386 = arith.constant 0 : i32
      %dma_start3A_387 = arith.constant 0 : i32
      %dma_start3A_388 = tpu.memref_slice %arg12[%dma_start3A_369, %dma_start3A_385, %dma_start3A_386, %dma_start3A_387] : memref<2x8x8x129xf32, #tpu.memory_space<vmem>> -> memref<1x8x8x128xf32, #tpu.memory_space<vmem>>
      %dma_start3A_389 = tpu.memref_squeeze %dma_start3A_388 : memref<1x8x8x128xf32, #tpu.memory_space<vmem>> -> memref<8x8x128xf32, #tpu.memory_space<vmem>>
      tpu.enqueue_dma source(%dma_start3A_389 : memref<8x8x128xf32, #tpu.memory_space<vmem>>) target(%dma_start3A_384 : memref<8x8x128xf32, #tpu.memory_space<hbm>>) target_semaphore(%arg17 : memref<!tpu.dma_semaphore, #tpu.memory_space<semaphore_mem>>)
    }
    %scan3A_192 = arith.constant 100 : i32
    %dma_wait3A = arith.constant 0 : i32
    %dma_wait3A_193 = arith.constant 0 : i32
    %dma_wait3A_194 = arith.constant 0 : i32
    %dma_wait3A_195 = arith.constant 0 : i32
    %dma_wait3A_196 = arith.constant 0 : i32
    %dma_wait3A_197 = arith.constant 0 : i32
    %dma_wait3A_198 = tpu.memref_slice %arg12[%dma_wait3A, %dma_wait3A_195, %dma_wait3A_196, %dma_wait3A_197] : memref<2x8x8x129xf32, #tpu.memory_space<vmem>> -> memref<1x8x8x128xf32, #tpu.memory_space<vmem>>
    %dma_wait3A_199 = tpu.memref_squeeze %dma_wait3A_198 : memref<1x8x8x128xf32, #tpu.memory_space<vmem>> -> memref<8x8x128xf32, #tpu.memory_space<vmem>>
    %dma_wait3A_200 = arith.constant 0 : i32
    %dma_wait3A_201 = arith.constant 0 : i32
    %dma_wait3A_202 = arith.constant 0 : i32
    %dma_wait3A_203 = tpu.memref_slice %arg7[%dma_wait3A_193, %dma_wait3A_200, %dma_wait3A_194, %dma_wait3A_201, %dma_wait3A_202] : memref<200x8x32x8x128xf32, #tpu.memory_space<hbm>> -> memref<1x8x1x8x128xf32, #tpu.memory_space<hbm>>
    %dma_wait3A_204 = tpu.memref_squeeze %dma_wait3A_203 : memref<1x8x1x8x128xf32, #tpu.memory_space<hbm>> -> memref<8x8x128xf32, #tpu.memory_space<hbm>>
    %dma_wait3A_205 = arith.constant 0 : i32
    %dma_wait3A_206 = arith.constant 0 : i32
    %dma_wait3A_207 = arith.constant 0 : i32
    %dma_wait3A_208 = tpu.memref_slice %arg7[%dma_wait3A_193, %dma_wait3A_205, %dma_wait3A_194, %dma_wait3A_206, %dma_wait3A_207] : memref<200x8x32x8x128xf32, #tpu.memory_space<hbm>> -> memref<1x8x1x8x128xf32, #tpu.memory_space<hbm>>
    %dma_wait3A_209 = tpu.memref_squeeze %dma_wait3A_208 : memref<1x8x1x8x128xf32, #tpu.memory_space<hbm>> -> memref<8x8x128xf32, #tpu.memory_space<hbm>>
    %dma_wait3A_210 = arith.constant 0 : i32
    %dma_wait3A_211 = arith.constant 0 : i32
    %dma_wait3A_212 = arith.constant 0 : i32
    %dma_wait3A_213 = tpu.memref_slice %arg12[%dma_wait3A, %dma_wait3A_210, %dma_wait3A_211, %dma_wait3A_212] : memref<2x8x8x129xf32, #tpu.memory_space<vmem>> -> memref<1x8x8x128xf32, #tpu.memory_space<vmem>>
    %dma_wait3A_214 = tpu.memref_squeeze %dma_wait3A_213 : memref<1x8x8x128xf32, #tpu.memory_space<vmem>> -> memref<8x8x128xf32, #tpu.memory_space<vmem>>
    tpu.wait_dma2 semaphore(%arg16 : memref<!tpu.dma_semaphore, #tpu.memory_space<semaphore_mem>>) src(%dma_wait3A_214 : memref<8x8x128xf32, #tpu.memory_space<vmem>>) dst(%dma_wait3A_209 : memref<8x8x128xf32, #tpu.memory_space<hbm>>)
    %dma_wait3A_215 = arith.constant 1 : i32
    %dma_wait3A_216 = arith.constant 0 : i32
    %dma_wait3A_217 = arith.constant 0 : i32
    %dma_wait3A_218 = arith.constant 0 : i32
    %dma_wait3A_219 = arith.constant 0 : i32
    %dma_wait3A_220 = arith.constant 0 : i32
    %dma_wait3A_221 = tpu.memref_slice %arg12[%dma_wait3A_215, %dma_wait3A_218, %dma_wait3A_219, %dma_wait3A_220] : memref<2x8x8x129xf32, #tpu.memory_space<vmem>> -> memref<1x8x8x128xf32, #tpu.memory_space<vmem>>
    %dma_wait3A_222 = tpu.memref_squeeze %dma_wait3A_221 : memref<1x8x8x128xf32, #tpu.memory_space<vmem>> -> memref<8x8x128xf32, #tpu.memory_space<vmem>>
    %dma_wait3A_223 = arith.constant 0 : i32
    %dma_wait3A_224 = arith.constant 0 : i32
    %dma_wait3A_225 = arith.constant 0 : i32
    %dma_wait3A_226 = tpu.memref_slice %arg7[%dma_wait3A_216, %dma_wait3A_223, %dma_wait3A_217, %dma_wait3A_224, %dma_wait3A_225] : memref<200x8x32x8x128xf32, #tpu.memory_space<hbm>> -> memref<1x8x1x8x128xf32, #tpu.memory_space<hbm>>
    %dma_wait3A_227 = tpu.memref_squeeze %dma_wait3A_226 : memref<1x8x1x8x128xf32, #tpu.memory_space<hbm>> -> memref<8x8x128xf32, #tpu.memory_space<hbm>>
    %dma_wait3A_228 = arith.constant 0 : i32
    %dma_wait3A_229 = arith.constant 0 : i32
    %dma_wait3A_230 = arith.constant 0 : i32
    %dma_wait3A_231 = tpu.memref_slice %arg7[%dma_wait3A_216, %dma_wait3A_228, %dma_wait3A_217, %dma_wait3A_229, %dma_wait3A_230] : memref<200x8x32x8x128xf32, #tpu.memory_space<hbm>> -> memref<1x8x1x8x128xf32, #tpu.memory_space<hbm>>
    %dma_wait3A_232 = tpu.memref_squeeze %dma_wait3A_231 : memref<1x8x1x8x128xf32, #tpu.memory_space<hbm>> -> memref<8x8x128xf32, #tpu.memory_space<hbm>>
    %dma_wait3A_233 = arith.constant 0 : i32
    %dma_wait3A_234 = arith.constant 0 : i32
    %dma_wait3A_235 = arith.constant 0 : i32
    %dma_wait3A_236 = tpu.memref_slice %arg12[%dma_wait3A_215, %dma_wait3A_233, %dma_wait3A_234, %dma_wait3A_235] : memref<2x8x8x129xf32, #tpu.memory_space<vmem>> -> memref<1x8x8x128xf32, #tpu.memory_space<vmem>>
    %dma_wait3A_237 = tpu.memref_squeeze %dma_wait3A_236 : memref<1x8x8x128xf32, #tpu.memory_space<vmem>> -> memref<8x8x128xf32, #tpu.memory_space<vmem>>
    tpu.wait_dma2 semaphore(%arg17 : memref<!tpu.dma_semaphore, #tpu.memory_space<semaphore_mem>>) src(%dma_wait3A_237 : memref<8x8x128xf32, #tpu.memory_space<vmem>>) dst(%dma_wait3A_232 : memref<8x8x128xf32, #tpu.memory_space<hbm>>)
    return
  }
}

</mosaic_0001>

<sc_bundles>
// kernel: kernel.3.cloned.1.call-start
scs
__scs_entry_jumppad:
0x0: {  	(pc) =	sbr.rel $0x88, $3  }
0x1: {  	(tag) =	ssettag $0x0;
	lr =	simm.s32 $0x1  }
0x2: {  	[smem:$0x3F9C] =	sst lr;
	_ =	strace $0xD0000000  }
0x3: {  	_ = 	snop  }
0x4: {  	_ = 	snop  }
0x5: {  	_ = 	snop  }
0x6: {  	_ = 	snop  }
0x7: {  	_ = 	snop  }
__scs_overlays_trampoline_lowered:
0x8: {  	[smem:$0x3FAB] =	sst s0  }
0x9: {  	[smem:$0x3FAC] =	sst s1  }
0xa: {  	[smem:$0x3FAD] =	sst s2  }
0xb: {  	[smem:$0x3FAE] =	sst s3  }
0xc: {  	[smem:$0x3FAF] =	sst s4  }
0xd: {  	[smem:$0x3FB0] =	sst s5  }
0xe: {  	[smem:$0x3FB1] =	sst s6  }
0xf: {  	[smem:$0x3FB2] =	sst s7  }
0x10: {  	[smem:$0x3FB3] =	sst s8  }
0x11: {  	[smem:$0x3FB4] =	sst s9;
	s0 =	simm.s32 @!p0 $0x0  }
0x12: {  	s1 =	sld [smem:$0x3F9A];
	s0 =	simm.s32 @p0 $0x1  }
0x13: {  	[smem:$0x3FB5] =	sst s0;
	s0 =	simm.s32 @!p1 $0x0  }
0x14: {  	s2 =	sld [smem:$0x3F99];
	s0 =	simm.s32 @p1 $0x1  }
0x15: {  	[smem:$0x3FB6] =	sst s0;
	s0 =	simm.s32 @!p2 $0x0  }
0x16: {  	s3 =	sld [smem:$0x3FDB];
	s0 =	simm.s32 @p2 $0x1  }
0x17: {  	s4 =	simm.s32 $0x1BF5;
	[smem:$0x3FB8] =	sst s0  }
0x18: {  	s0 =	sld [smem:$0x3F9B];
	_ =	swait.ge [sflag:s4], $0x0  }
0x19: {  	s7 =	sld [smem:$0x3F9C]  }
0x1a: {  	s8 =	sadd.s32 $0xFFFFE003, lr  }
0x1b: {  	s9 =	sadd.s32 $0xFFFFFEF7, lr;
	s5 =	simm.s32 $0xFFFFFFFF;
	p2 =	slt.u32 s8, $0xFFFFF086  }
0x1c: {  	p1 =	slt.u32 s9, $0xF7A;
	s5 =	simm.s32 @!p2 $0x0  }
0x1d: {  	s5 =	simm.s32 @p1 $0x1;
	p0 =	seq.s32 s7, s2  }
0x1e: {  	s7 =	smul.u32 @!p0 $0xF7A, s2;
	p2 =	seq.s32 @!p0 s5, $0x0  }
0x1f: {  	s9 =	smul.u32 $0xF7A, s1;
	s8 =	simm.s32 @!p0 $0x1BF5;
	p2 =	por !p2, p0  }
0x20: {  	[sflag:s8] =	ssyncset.s32 @!p0 $0xFFFFF086;
	s6 =	sadd.s32 @!p0 s3, s7;
	s7 =	simm.s32 @!p0 $0x108  }
0x21: {  	s3 =	sadd.s32 s3, s9;
	s6 =	sadd.s32 @!p0 $0x88, s6;
	s7 =	simm.s32 @p2 $0x1082  }
0x22: {  	[simem:s7], [sflag:s8] =	dma.local @!p0 [hbm:s6], $0xF7A  }
0x23: {  	s9 =	sor.u32 $0xD0000000, s2;
	s6 =	simm.s32 $0x108;
	_ =	swait.ge @!p0 [sflag:s8], $0x0  }
0x24: {  	s3 =	sadd.s32 $0x88, s3;
	s6 =	simm.s32 @!p1 $0x1082;
	[sflag:s4] =	ssyncset.s32 $0xFFFFF086  }
0x25: {  	[simem:s6], [sflag:s4] =	dma.local [hbm:s3], $0xF7A  }
0x26: {  	[smem:$0x3F9C] =	sst s1;
	(tag) =	ssettag s2;
	_ =	strace s9  }
0x27: {  	s1 =	sld [smem:$0x3FAC]  }
0x28: {  	s2 =	sld [smem:$0x3FAD]  }
0x29: {  	s4 =	sld [smem:$0x3FAF]  }
0x2a: {  	p0 =	seq.s32 s5, $0x0;
	s5 =	sld [smem:$0x3FB0]  }
0x2b: {  	s6 =	sld [smem:$0x3FB1]  }
0x2c: {  	s7 =	sld [smem:$0x3FB2]  }
0x2d: {  	s3 =	simm.s32 $0x108;
	s8 =	sld [smem:$0x3FB3]  }
0x2e: {  	s3 =	simm.s32 @!p0 $0x1082;
	s9 =	sld [smem:$0x3FB4]  }
0x2f: {  	lr =	sadd.s32 s0, s3;
	s0 =	sld [smem:$0x3FAB]  }
0x30: {  	s3 =	sld [smem:$0x3FAE]  }
0x31: {  	[smem:$0x3FB7] =	sst s10  }
0x32: {  	s10 =	sld [smem:$0x3FB5];
	_ =	sdelay $0x3  }
0x33: {  	p0 =	seq.s32 s10, $0x1;
	s10 =	sld [smem:$0x3FB7];
	_ =	sdelay $0x3  }
0x34: {  	[smem:$0x3FB7] =	sst s10  }
0x35: {  	s10 =	sld [smem:$0x3FB6];
	_ =	sdelay $0x3  }
0x36: {  	p1 =	seq.s32 s10, $0x1;
	s10 =	sld [smem:$0x3FB7];
	_ =	sdelay $0x3  }
0x37: {  	[smem:$0x3FB7] =	sst s10  }
0x38: {  	s10 =	sld [smem:$0x3FB8]  }
0x39: {  	_ = 	snop;
	(pc) =	sbr.ind lr, $3  }
0x3a: {  	_ = 	snop  }
0x3b: {  	_ = 	snop  }
0x3c: {  	p2 =	seq.s32 s10, $0x1;
	s10 =	sld [smem:$0x3FB7]  }
0x3d: {  	_ =	shalt  }
0x3e: {  	_ =	shalt  }
0x3f: {  	_ =	shalt  }
0x40: {  	_ =	shalt  }
0x41: {  	_ =	shalt  }
0x42: {  	_ =	shalt  }
0x43: {  	_ =	shalt  }
0x44: {  	_ =	shalt  }
0x45: {  	_ =	shalt  }
0x46: {  	_ =	shalt  }
0x47: {  	_ =	shalt  }
0x48: {  	_ =	shalt  }
0x49: {  	_ =	shalt  }
0x4a: {  	_ =	shalt  }
0x4b: {  	_ =	shalt  }
0x4c: {  	_ =	shalt  }
0x4d: {  	_ =	shalt  }
0x4e: {  	_ =	shalt  }
0x4f: {  	_ =	shalt  }
0x50: {  	_ =	shalt  }
0x51: {  	_ =	shalt  }
0x52: {  	_ =	shalt  }
0x53: {  	_ =	shalt  }
0x54: {  	_ =	shalt  }
0x55: {  	_ =	shalt  }
0x56: {  	_ =	shalt  }
0x57: {  	_ =	shalt  }
0x58: {  	_ =	shalt  }
0x59: {  	_ =	shalt  }
0x5a: {  	_ =	shalt  }
0x5b: {  	_ =	shalt  }
0x5c: {  	_ =	shalt  }
0x5d: {  	_ =	shalt  }
0x5e: {  	_ =	shalt  }
0x5f: {  	_ =	shalt  }
0x60: {  	_ =	shalt  }
0x61: {  	_ =	shalt  }
0x62: {  	_ =	shalt  }
0x63: {  	_ =	shalt  }
0x64: {  	_ =	shalt  }
0x65: {  	_ =	shalt  }
0x66: {  	_ =	shalt  }
0x67: {  	_ =	shalt  }
0x68: {  	_ =	shalt  }
0x69: {  	_ =	shalt  }
0x6a: {  	_ =	shalt  }
0x6b: {  	_ =	shalt  }
0x6c: {  	_ =	shalt  }
0x6d: {  	_ =	shalt  }
0x6e: {  	_ =	shalt  }
0x6f: {  	_ =	shalt  }
0x70: {  	_ =	shalt  }
0x71: {  	_ =	shalt  }
0x72: {  	_ =	shalt  }
0x73: {  	_ =	shalt  }
0x74: {  	_ =	shalt  }
0x75: {  	_ =	shalt  }
0x76: {  	_ =	shalt  }
0x77: {  	_ =	shalt  }
0x78: {  	_ =	shalt  }
0x79: {  	_ =	shalt  }
0x7a: {  	_ =	shalt  }
0x7b: {  	_ =	shalt  }
0x7c: {  	_ =	shalt  }
0x7d: {  	_ =	shalt  }
0x7e: {  	_ =	shalt  }
0x7f: {  	_ =	shalt  }
0x80: {  	_ =	shalt  }
0x81: {  	_ =	shalt  }
0x82: {  	_ =	shalt  }
0x83: {  	_ =	shalt  }
0x84: {  	_ =	shalt  }
0x85: {  	_ =	shalt  }
0x86: {  	_ =	shalt  }
0x87: {  	_ =	shalt  }
.Lfunc_end0:
.L_simem_size_0:
called_computation_lowered:
.L_overlay_start_0:
0x88: {  	s2 =	sld [smem:$0x3FD9]  }
0x89: {  	s3 =	sld [smem:$0x3FFE];
	_ =	sdelay $0x1  }
0x8a: {  	s1 =	srdreg.scid  }
0x8b: {  	s0 =	sand.u32 $0x1, s1  }
0x8c: {  	s17 =	sshll.u32 s0, $0xA;
	s2 =	sadd.s32 s3, s2  }
0x8d: {  	s2 =	sadd.s32 s2, s17  }
0x8e: {  	[smem:$0x3FC3] =	sst s2  }
0x8f: {  	_ = 	snop  }
0x90: {  	s2 =	sld [smem:$0x3FC9]  }
0x91: {  	s18 =	sld [smem:$0x3FC8]  }
0x92: {  	s4 =	sld [smem:$0x3FD0];
	(tm) =	ssettm $0x1  }
0x93: {  	s5 =	sld [smem:$0x3FFB];
	_ =	sdelay $0x3  }
0x94: {  	_ =	strace s5  }
0x95: {  	s5 =	sld [smem:$0x3FFC];
	_ =	sdelay $0x3  }
0x96: {  	_ =	strace s5  }
0x97: {  	s5 =	sld [smem:$0x3FFD];
	_ =	sdelay $0x3  }
0x98: {  	_ =	strace s5  }
0x99: {  	_ =	strace $0x8FFFFFFF  }
0x9a: {  	s19 =	sld [smem:$0x3FDB];
	_ =	sdelay $0x1  }
0x9b: {  	s6 =	simm.s32 $_scs_section_size  }
0x9c: {  	s7 =	simm.s32 $_size__tile_overlayer_lowered;
	s8 =	simm.s32 $_tile_overlayer_lowered  }
0x9d: {  	s22 =	simm.s32 $0x1BFF;
	s21 =	sshll.u32 s8, $0x1;
	s5 =	sadd.s32 s6, s19  }
0x9e: {  	s9 =	simm.s32 $0x0;
	s20 =	sshll.u32 s7, $0x1;
	s7 =	sadd.s32 s21, s5  }
0x9f: {  	[timem:s9], [sflag:s22] =	dma.local [hbm:s7], s20  }
0xa0: {  	_ =	swait.ge [sflag:s22], s20  }
0xa1: {  	s6 =	ssub.s32 $0x0, s20;
	[sflag:s22] =	ssyncset.done $0x0  }
0xa2: {  	[sflag:s22] =	ssyncadd.s32 s6;
	_ =	sdelay $0x1  }
0xa3: {  	s23 =	simm.s32 $0x1B8B  }
0xa4: {  	_ =	swait.ge [sflag:s23], $0x1  }
0xa5: {  	[sflag:s23] =	ssyncset.done $0x0  }
0xa6: {  	s25 =	simm.s32 $0x1B8E;
	s24 =	sld [smem:$0x3FFE];
	[sflag:s23] =	ssyncadd.s32 $0xFFFFFFFF  }
0xa7: {  	s26 =	simm.s32 $execute0_lowered;
	[smem:$0x3FD2] =	sst s25  }
0xa8: {  	s7 =	sshll.u32 s26, $0x1;
	_ =	strace $0x80000046;
	[dreg:$0x1] =	wrdreg $0xFFFFFFFF  }
0xa9: {  	s28 =	simm.s32 $_size_execute0_lowered;
	s5 =	sadd.s32 s5, s7;
	[dreg:$0x0] =	wrdreg $0x0  }
0xaa: {  	s7 =	sshll.u32 s28, $0x1;
	[dreg:$0x2] =	wrdreg s5  }
0xab: {  	[dreg:$0x3] =	wrdreg s7  }
0xac: {  	[dreg:$0x4] =	wrdreg $0xC0  }
0xad: {  	_ =	task [dreg:s9], $0x5FFFF  }
0xae: {  	[dreg:$0x1] =	wrdreg $0xFFFFFFFF  }
0xaf: {  	[dreg:$0x0] =	wrdreg $0x60  }
0xb0: {  	[dreg:$0x2] =	wrdreg s2  }
0xb1: {  	[dreg:$0x3] =	wrdreg s18  }
0xb2: {  	[dreg:$0x4] =	wrdreg s24  }
0xb3: {  	[dreg:$0x5] =	wrdreg s4  }
0xb4: {  	[dreg:$0x6] =	wrdreg $0x9  }
0xb5: {  	_ =	task.clear_ibuf [dreg:s9], $0x7FFFF;
	_ =	strace $0x90000046  }
0xb6: {  	s29 =	simm.s32 $0x9;
	_ =	strace $0x80000048  }
0xb7: {  	_ =	swait.ge [sflag:s29], $0x1  }
0xb8: {  	[sflag:s29] =	ssyncadd.s32 $0xFFFFFFFF  }
0xb9: {  	_ =	strace $0x90000048  }
0xba: {  	_ =	sfence  }
0xbb: {  	s30 =	sld [smem:$0x0];
	_ =	sdelay $0x2  }
0xbc: {  	s31 =	sshll.u32 s1, $0xD;
	s1 =	sshrl.u32 s1, $0x2  }
0xbd: {  	s3 =	sand.u32 $0x4000, s31;
	s1 =	sadd.s32 s1, s30  }
0xbe: {  	s0 =	sor.u32 s3, s0;
	s1 =	sshll.u32 s1, $0x11  }
0xbf: {  	s0 =	sor.u32 s1, s0  }
0xc0: {  	s0 =	sadd.s32 $0x8F2B, s0  }
0xc1: {  	[sflag:s0] =	ssyncadd.remote.s32 $0x1  }
0xc2: {  	_ =	sfence.sel $0xFFFF  }
0xc3: {  	[dreg:$0x0] =	wrdreg $0xFFFFFFFF;
	(pc) =	sbr.abs _section_cstart, $3  }
0xc4: {  	[dreg:$0x1] =	wrdreg $0xFFFFFFFF  }
0xc5: {  	_ =	task.clear_ibuf [dreg:s9], $0x2FFFF;
	_ =	strace $0x9FFFFFFF  }
0xc6: {  	(tm) =	ssettm $0x7FFFFFFF  }
0xc7: {  	_ =	shalt  }
tec
execute0_lowered:
.L_overlay_start_1:
0x0: {  	(tag) =	ssettag $0x1  }
0x1: {  	s0 =	rddreg [dreg:$0x0]  }
0x2: {  	s2 =	rddreg [dreg:$0x1]  }
0x3: {  	s7 =	rddreg [dreg:$0x2]  }
0x4: {  	s1 =	rddreg [dreg:$0x3];
	s3 =	simm.s32 $0x0  }
0x5: {  	s4 =	srdreg.scid;
	s5 =	stileid.u32;
	s12 =	simm.s32 $0x5  }
0x6: {  	s15 =	simm.s32 $0x6400;
	s16 =	simm.s32 $0x80;
	s19 =	simm.s32 $0xE800  }
0x7: {  	s20 =	simm.s32 $0x12800;
	s21 =	simm.s32 $0x1;
	s22 =	simm.s32 $0x14800  }
0x8: {  	s23 =	simm.s32 $0x2;
	s24 =	simm.s32 $0x16A00;
	s25 =	simm.s32 $0x3  }
0x9: {  	s26 =	simm.s32 $0x4;
	s28 =	simm.s32 $0x0;
	[smem:$0x7FF] =	sst s3  }
0xa: {  	s6 =	sand.u32 $0x1, s4;
	s4 =	sadd.s32 $0xC00, s7;
	s8 =	sshll.u32 s5, $0xB  }
0xb: {  	v0 =	vlaneseq.u32;
	s5 =	sadd.s32 $0x14600, s7;
	s9 =	sshll.u32 s6, $0xA;
	s10 =	ssub.s32 $0x2, s6  }
0xc: {  	s7 =	sadd.s32 $0x400, s7;
	v0 =	vmul.u32 $0x88, v0;
	s6 =	sor.u32 s9, s8;
	s31 =	sshrl.u32 s10, $0x1  }
0xd: {  	_ =	strace $0x80000047;
	s9 =	sshrl.u32 s6, $0x3;
	s10 =	ssub.s32 s10, s31  }
0xe: {  	v1 =	vadd.s32 $0x880, v0;
	v2 =	vadd.s32 $0x1100, v0;
	v3 =	vadd.s32 $0x1980, v0;
	s8 =	sadd.s32 s0, s9;
	s9 =	sadd.s32 s2, s9;
	s10 =	smax.u32 s10, $0x1  }
.LBB2_1:
0xf: {  	s0 =	simm.s32 $0x18C00  }
0x10: {  	[tilespmem:s0], [sflag:$0x5] =	stream.linear.gather [hbm4b:s7+s3], $0x3200, $0x38;
	[tilespmem:$0x1BE00] =	vst v63  }
0x11: {  	_ =	swait.ge [sflag:s12], $0x3200  }
0x12: {  	[sflag:s12] =	ssyncset.done $0x0  }
0x13: {  	s18 =	simm.s32 $0x400;
	s2 =	simm.s32 $0x8000;
	[sflag:s12] =	ssyncadd.s32 $0xFFFFCE00  }
0x14: {  	[tilespmem:s3], [sflag:$0x5] =	stream.strided.gather [hbm4b:s8+s18], $0x6400, s2, s18, $0x38;
	[tilespmem:$0x1BE00] =	vst v63  }
0x15: {  	_ =	swait.ge [sflag:s12], $0x6400  }
0x16: {  	[sflag:s12] =	ssyncset.done $0x0  }
0x17: {  	[sflag:s12] =	ssyncadd.s32 $0xFFFF9C00  }
0x18: {  	[tilespmem:s15], [sflag:$0x5] =	stream.strided.gather [hbm4b:s9+s18], $0x6400, s2, s18, $0x38;
	[tilespmem:$0x1BE00] =	vst v63  }
0x19: {  	_ =	swait.ge [sflag:s12], $0x6400  }
0x1a: {  	[sflag:s12] =	ssyncset.done $0x0  }
0x1b: {  	[sflag:s12] =	ssyncadd.s32 $0xFFFF9C00  }
0x1c: {  	v4 =	vld [tilespmem:$0x0]  }
0x1d: {  	v5 =	vld [tilespmem:$0x10]  }
0x1e: {  	v6 =	vld [tilespmem:$0x20]  }
0x1f: {  	v7 =	vld [tilespmem:$0x30]  }
0x20: {  	v8 =	vld [tilespmem:$0x40]  }
0x21: {  	v9 =	vld [tilespmem:$0x50];
	vm0 =	vlt.s32 v4, $0x2710  }
0x22: {  	v10 =	vld [tilespmem:$0x60];
	vm9 =	vlt.s32 v5, $0x2710;
	v4 =	vnsel vm0, $0x2710, v4  }
0x23: {  	vm10 =	vlt.s32 v6, $0x2710;
	[tilespmem:$0x0] =	vst v4;
	v4 =	vnsel vm9, $0x2710, v5;
	v5 =	vld [tilespmem:$0x70]  }
0x24: {  	vm11 =	vlt.s32 v7, $0x2710;
	[tilespmem:$0x10] =	vst v4;
	v4 =	vnsel vm10, $0x2710, v6  }
0x25: {  	vm12 =	vlt.s32 v8, $0x2710;
	[tilespmem:$0x20] =	vst v4;
	v4 =	vnsel vm11, $0x2710, v7  }
0x26: {  	vm13 =	vlt.s32 v9, $0x2710;
	[tilespmem:$0x30] =	vst v4;
	v4 =	vnsel vm12, $0x2710, v8  }
0x27: {  	vm14 =	vlt.s32 v10, $0x2710;
	[tilespmem:$0x40] =	vst v4;
	v4 =	vnsel vm13, $0x2710, v9  }
0x28: {  	[tilespmem:$0x50] =	vst v4;
	v4 =	vnsel vm14, $0x2710, v10;
	vm15 =	vlt.s32 v5, $0x2710  }
0x29: {  	[tilespmem:$0x60] =	vst v4;
	v4 =	vnsel vm15, $0x2710, v5  }
0x2a: {  	s30 =	simm.s32 $0xC800;
	[tilespmem:$0x70] =	vst v4  }
0x2b: {  	[tilespmem:s30], [sflag:$0x1] =	stream.indirect.gather [hbm4b:s4+s16], $0x40, s3, s16, $0xb8;
	[tilespmem:$0x1BE00] =	vst v63  }
0x2c: {  	s31 =	simm.s32 $0x10800;
	s29 =	simm.s32 $0x0  }
0x2d: {  	[tilespmem:s31], [sflag:$0x1] =	stream.indirect.gather [hbm4b:s5+s16], $0x40, s15, s16, $0xb8;
	[tilespmem:$0x1BE00] =	vst v63  }
.LBB2_2:
0x2e: {  	s30 =	sshllo.u32 s29, $0x1  }
0x2f: {  	s31 =	sshll.u32 s29, $0x8;
	s0 =	sshll.u32 s30, $0x7  }
0x30: {  	s2 =	sand.u32 $0x7C00, s31;
	s0 =	sand.u32 $0x380, s0  }
0x31: {  	s0 =	sor.u32 s2, s0  }
0x32: {  	v4 =	vld [tilespmem:s0+$0x0]  }
0x33: {  	v5 =	vld [tilespmem:s0+$0x10]  }
0x34: {  	v6 =	vld [tilespmem:s0+$0x20]  }
0x35: {  	v7 =	vld [tilespmem:s0+$0x30]  }
0x36: {  	v8 =	vld [tilespmem:s0+$0x40]  }
0x37: {  	v9 =	vld [tilespmem:s0+$0x50];
	vm0 =	vlt.s32 v4, $0x2710  }
0x38: {  	v10 =	vld [tilespmem:s0+$0x60];
	vm9 =	vlt.s32 v5, $0x2710;
	v4 =	vnsel vm0, $0x2710, v4  }
0x39: {  	vm10 =	vlt.s32 v6, $0x2710;
	[tilespmem:s0+$0x0] =	vst v4;
	v4 =	vnsel vm9, $0x2710, v5;
	v5 =	vld [tilespmem:s0+$0x70]  }
0x3a: {  	vm11 =	vlt.s32 v7, $0x2710;
	[tilespmem:s0+$0x10] =	vst v4;
	v4 =	vnsel vm10, $0x2710, v6  }
0x3b: {  	vm12 =	vlt.s32 v8, $0x2710;
	[tilespmem:s0+$0x20] =	vst v4;
	v4 =	vnsel vm11, $0x2710, v7  }
0x3c: {  	vm13 =	vlt.s32 v9, $0x2710;
	[tilespmem:s0+$0x30] =	vst v4;
	v4 =	vnsel vm12, $0x2710, v8  }
0x3d: {  	vm14 =	vlt.s32 v10, $0x2710;
	[tilespmem:s0+$0x40] =	vst v4;
	v4 =	vnsel vm13, $0x2710, v9  }
0x3e: {  	[tilespmem:s0+$0x50] =	vst v4;
	v4 =	vnsel vm14, $0x2710, v10;
	vm15 =	vlt.s32 v5, $0x2710  }
0x3f: {  	[tilespmem:s0+$0x60] =	vst v4;
	v4 =	vnsel vm15, $0x2710, v5  }
0x40: {  	[tilespmem:s0+$0x70] =	vst v4  }
0x41: {  	[tilespmem:s19], [sflag:$0x2] =	stream.indirect.gather [hbm4b:s4+s16], $0x40, s0, s16, $0xb8;
	[tilespmem:$0x1BE00] =	vst v63  }
0x42: {  	s0 =	sadd.s32 $0x6400, s0  }
0x43: {  	[tilespmem:s20], [sflag:$0x2] =	stream.indirect.gather [hbm4b:s5+s16], $0x40, s0, s16, $0xb8;
	[tilespmem:$0x1BE00] =	vst v63  }
0x44: {  	_ =	swait.ge [sflag:s21], $0x2000  }
0x45: {  	[sflag:s21] =	ssyncset.done $0x0  }
0x46: {  	[sflag:s21] =	ssyncadd.s32 $0xFFFFE000  }
0x47: {  	_ =	swait.ge [sflag:s21], $0x2000  }
0x48: {  	p0 =	seq.s32 s29, $0x0;
	[sflag:s21] =	ssyncset.done $0x0  }
0x49: {  	s0 =	simm.s32 @!p0 $0x3;
	[sflag:s21] =	ssyncadd.s32 $0xFFFFE000  }
0x4a: {  	_ =	swait.ge @!p0 [sflag:s0], $0x2000  }
0x4b: {  	s17 =	sshll.u32 s29, $0x7;
	[sflag:s0] =	ssyncset.done @!p0 $0x0  }
0x4c: {  	s11 =	sand.u32 $0x3FFFFF80, s17;
	[sflag:s0] =	ssyncadd.s32 @!p0 $0xFFFFE000  }
0x4d: {  	s2 =	simm.s32 $0xC880;
	v11 =	vld [tilespmem:s11+$0x18C00]  }
0x4e: {  	s0 =	simm.s32 $0x10880;
	v4 =	vld [tilespmem:s2+$0x40]  }
0x4f: {  	v7 =	vld [tilespmem:s0+$0x40]  }
0x50: {  	s13 =	simm.s32 $0x3;
	v10 =	vld [tilespmem:s11+$0x18C10]  }
0x51: {  	v6 =	vmov s13;
	v8 =	vld [tilespmem:s2+$0xFFFFFF80]  }
0x52: {  	v6 =	vand.u32 $0x7F, v6;
	v9 =	vld [tilespmem:s0+$0xFFFFFF80]  }
0x53: {  	s18 =	simm.s32 $0x0;
	v13 =	vadd.s32 v0, v6;
	v12 =	vld [tilespmem:s2+$0xFFFFFFC0]  }
0x54: {  	v14 =	vmov s18;
	v15 =	vld [tilespmem:s0+$0xFFFFFFC0];
	v4 =	vadd.f32 v7, v4  }
0x55: {  	s14 =	simm.s32 $0x1;
	v18 =	vld [tilespmem:s0+$0x0];
	v7 =	vand.u32 $0x7C, v14  }
0x56: {  	v17 =	vmov s14;
	v14 =	vld [tilespmem:s2+$0x0];
	v16 =	vadd.s32 v0, v7;
	v19 =	vadd.f32 v4, v11  }
0x57: {  	s17 =	simm.s32 $0x2;
	v5 =	vld [tilespmem:s11+$0x18C20];
	v8 =	vadd.f32 v9, v8;
	v9 =	vand.u32 $0x7D, v17  }
0x58: {  	v20 =	vmov s17;
	v17 =	vadd.s32 v0, v9;
	v4 =	vld [tilespmem:s11+$0x18C30];
	[tilespmem:v13+s22+$0x0] =	vst.idx.msk $0xffff, v19  }
0x59: {  	v12 =	vadd.f32 v15, v12;
	v13 =	vadd.f32 v8, v11;
	v8 =	vand.u32 $0x7E, v20;
	v15 =	vld [tilespmem:s2+$0x50]  }
0x5a: {  	v19 =	vadd.s32 v0, v8;
	v20 =	vld [tilespmem:s0+$0x50]  }
0x5b: {  	v12 =	vadd.f32 v12, v11;
	[tilespmem:v16+s22+$0x0] =	vst.idx.msk $0xffff, v13;
	v13 =	vadd.f32 v18, v14  }
0x5c: {  	v14 =	vld [tilespmem:s2+$0xFFFFFF90]  }
0x5d: {  	[tilespmem:v17+s22+$0x0] =	vst.idx.msk $0xffff, v12;
	v16 =	vld [tilespmem:s0+$0xFFFFFF90];
	v12 =	vadd.f32 v13, v11  }
0x5e: {  	v17 =	vadd.s32 v1, v6;
	v18 =	vld [tilespmem:s0+$0xFFFFFFD0]  }
0x5f: {  	v13 =	vld [tilespmem:s2+$0xFFFFFFD0];
	[tilespmem:v19+s22+$0x0] =	vst.idx.msk $0xffff, v12;
	v12 =	vadd.f32 v20, v15  }
0x60: {  	v15 =	vld [tilespmem:s2+$0x10]  }
0x61: {  	v19 =	vadd.s32 v1, v7;
	v20 =	vld [tilespmem:s0+$0x10];
	v12 =	vadd.f32 v12, v10  }
0x62: {  	v14 =	vadd.f32 v16, v14  }
0x63: {  	v16 =	vadd.s32 v1, v9;
	[tilespmem:v17+s22+$0x0] =	vst.idx.msk $0xffff, v12  }
0x64: {  	v13 =	vadd.f32 v18, v13;
	v12 =	vadd.f32 v14, v10;
	v14 =	vld [tilespmem:s2+$0x60]  }
0x65: {  	v17 =	vadd.s32 v1, v8;
	v18 =	vld [tilespmem:s0+$0x60]  }
0x66: {  	[tilespmem:v19+s22+$0x0] =	vst.idx.msk $0xffff, v12;
	v12 =	vadd.f32 v13, v10;
	v13 =	vadd.f32 v20, v15  }
0x67: {  	v15 =	vld [tilespmem:s2+$0xFFFFFFA0]  }
0x68: {  	v20 =	vld [tilespmem:s0+$0xFFFFFFA0];
	[tilespmem:v16+s22+$0x0] =	vst.idx.msk $0xffff, v12;
	v12 =	vadd.f32 v13, v10  }
0x69: {  	v16 =	vadd.s32 v2, v6;
	v13 =	vld [tilespmem:s2+$0xFFFFFFE0]  }
0x6a: {  	v22 =	vld [tilespmem:s0+$0xFFFFFFE0];
	[tilespmem:v17+s22+$0x0] =	vst.idx.msk $0xffff, v12;
	v12 =	vadd.f32 v18, v14  }
0x6b: {  	v14 =	vld [tilespmem:s2+$0x20]  }
0x6c: {  	s11 =	simm.s32 $0x10980;
	v18 =	vadd.s32 v2, v7;
	v17 =	vld [tilespmem:s0+$0x20];
	v12 =	vadd.f32 v12, v5  }
0x6d: {  	s17 =	simm.s32 $0xC980;
	v21 =	vld [tilespmem:s11+$0x40];
	v15 =	vadd.f32 v20, v15  }
0x6e: {  	v19 =	vld [tilespmem:s17+$0x40];
	[tilespmem:v16+s22+$0x0] =	vst.idx.msk $0xffff, v12;
	v16 =	vadd.s32 v2, v9  }
0x6f: {  	v23 =	vadd.f32 v15, v5;
	v22 =	vadd.f32 v22, v13;
	v12 =	vld [tilespmem:s2+$0x70]  }
0x70: {  	s18 =	simm.s32 $0x7;
	v15 =	vadd.s32 v2, v8;
	v13 =	vld [tilespmem:s0+$0x70]  }
0x71: {  	v24 =	vmov s18;
	v20 =	vld [tilespmem:s17+$0xFFFFFF80];
	[tilespmem:v18+s22+$0x0] =	vst.idx.msk $0xffff, v23;
	v18 =	vadd.f32 v22, v5;
	v17 =	vadd.f32 v17, v14  }
0x72: {  	s18 =	simm.s32 $0x4;
	s13 =	simm.s32 $0x8;
	v22 =	vld [tilespmem:s11+$0xFFFFFF80];
	v14 =	vand.u32 $0x7F, v24  }
.LBB2_3:
0x73: {  	p1 =	slt.u32 s13, $0x7C;
	v23 =	vld [tilespmem:s17+$0xFFFFFFC0];
	v24 =	vadd.s32 v0, v14;
	[tilespmem:v16+s22+$0x0] =	vst.idx.msk $0xffff, v18;
	v16 =	vadd.f32 v17, v5  }
0x74: {  	v17 =	vmov s18;
	v19 =	vadd.f32 v21, v19;
	v21 =	vadd.s32 v3, v6;
	v6 =	vmovc v14;
	v18 =	vld [tilespmem:s11+$0xFFFFFFC0]  }
0x75: {  	s14 =	sadd.s32 $0x1, s18;
	v14 =	vand.u32 $0x7C, v17;
	v17 =	vld [tilespmem:s17+$0x0];
	[tilespmem:v15+s22+$0x0] =	vst.idx.msk $0xffff, v16;
	v12 =	vadd.f32 v13, v12  }
0x76: {  	v13 =	vadd.s32 v0, v14;
	v15 =	vmov s14;
	v19 =	vadd.f32 v19, v11;
	v16 =	vld [tilespmem:s11+$0x0]  }
0x77: {  	s14 =	sadd.s32 $0x2, s18;
	s18 =	smov.u32 s13;
	v15 =	vand.u32 $0x7D, v15;
	v20 =	vadd.f32 v22, v20;
	v22 =	vld [tilespmem:s2+$0xFFFFFFB0];
	v12 =	vadd.f32 v12, v4  }
0x78: {  	v26 =	vmov s14;
	v25 =	vadd.s32 v0, v15;
	[tilespmem:v24+s22+$0x0] =	vst.idx.msk $0xffff, v19;
	v19 =	vld [tilespmem:s0+$0xFFFFFFB0]  }
0x79: {  	v20 =	vadd.f32 v20, v11;
	v18 =	vadd.f32 v18, v23;
	v23 =	vand.u32 $0x7E, v26;
	v24 =	vld [tilespmem:s17+$0x50];
	[tilespmem:v21+s22+$0x0] =	vst.idx.msk $0xffff, v12  }
0x7a: {  	v12 =	vadd.s32 v0, v23;
	v21 =	vld [tilespmem:s11+$0x50]  }
0x7b: {  	[tilespmem:v13+s22+$0x0] =	vst.idx.msk $0xffff, v20;
	v13 =	vadd.f32 v18, v11;
	v16 =	vadd.f32 v16, v17;
	v17 =	vld [tilespmem:s2+$0xFFFFFFF0]  }
0x7c: {  	v20 =	vadd.s32 v3, v7;
	v7 =	vmov v14;
	v18 =	vld [tilespmem:s17+$0xFFFFFF90]  }
0x7d: {  	v14 =	vld [tilespmem:s11+$0xFFFFFF90];
	[tilespmem:v25+s22+$0x0] =	vst.idx.msk $0xffff, v13;
	v13 =	vadd.f32 v16, v11;
	v16 =	vadd.f32 v19, v22  }
0x7e: {  	v22 =	vadd.s32 v1, v6;
	v19 =	vld [tilespmem:s17+$0xFFFFFFD0]  }
0x7f: {  	v25 =	vld [tilespmem:s11+$0xFFFFFFD0];
	[tilespmem:v12+s22+$0x0] =	vst.idx.msk $0xffff, v13;
	v12 =	vadd.f32 v21, v24;
	v13 =	vadd.f32 v16, v4  }
0x80: {  	v16 =	vld [tilespmem:s17+$0x10]  }
0x81: {  	v21 =	vadd.s32 v1, v7;
	v24 =	vld [tilespmem:s11+$0x10];
	v12 =	vadd.f32 v12, v10;
	[tilespmem:v20+s22+$0x0] =	vst.idx.msk $0xffff, v13  }
0x82: {  	v13 =	vadd.f32 v14, v18;
	v14 =	vld [tilespmem:s0+$0xFFFFFFF0]  }
0x83: {  	v18 =	vadd.s32 v1, v15;
	[tilespmem:v22+s22+$0x0] =	vst.idx.msk $0xffff, v12;
	v12 =	vld [tilespmem:s2+$0x30];
	s2 =	smov.u32 s17  }
0x84: {  	v13 =	vadd.f32 v13, v10;
	v19 =	vadd.f32 v25, v19;
	v20 =	vld [tilespmem:s17+$0x60]  }
0x85: {  	v26 =	vadd.s32 v3, v9;
	v9 =	vmov v15;
	v22 =	vadd.s32 v1, v23;
	v25 =	vld [tilespmem:s11+$0x60]  }
0x86: {  	[tilespmem:v21+s22+$0x0] =	vst.idx.msk $0xffff, v13;
	v13 =	vadd.f32 v19, v10;
	v15 =	vadd.f32 v24, v16;
	v16 =	vld [tilespmem:s0+$0x30];
	s0 =	smov.u32 s11  }
0x87: {  	v21 =	vld [tilespmem:s17+$0xFFFFFFA0];
	v14 =	vadd.f32 v14, v17  }
0x88: {  	v17 =	vld [tilespmem:s11+$0xFFFFFFA0];
	[tilespmem:v18+s22+$0x0] =	vst.idx.msk $0xffff, v13;
	v13 =	vadd.f32 v15, v10  }
0x89: {  	v18 =	vadd.s32 v2, v6;
	v15 =	vld [tilespmem:s17+$0xFFFFFFE0];
	v14 =	vadd.f32 v14, v4  }
0x8a: {  	v24 =	vld [tilespmem:s11+$0xFFFFFFE0];
	[tilespmem:v22+s22+$0x0] =	vst.idx.msk $0xffff, v13;
	v13 =	vadd.f32 v25, v20;
	v20 =	vadd.s32 v3, v8;
	v8 =	vmov v23  }
0x8b: {  	v22 =	vld [tilespmem:s17+$0x20];
	[tilespmem:v26+s22+$0x0] =	vst.idx.msk $0xffff, v14;
	v12 =	vadd.f32 v16, v12  }
0x8c: {  	v14 =	vadd.s32 v2, v7;
	s17 =	sadd.s32 $0x100, s17;
	v23 =	vld [tilespmem:s11+$0x20];
	v13 =	vadd.f32 v13, v5  }
0x8d: {  	s11 =	sadd.s32 $0x100, s11;
	v19 =	vld [tilespmem:s17+$0x40];
	v17 =	vadd.f32 v17, v21;
	v25 =	vadd.f32 v12, v4  }
.Ltmp0:
0x8e: {  	v16 =	vadd.s32 v2, v9;
	v21 =	vld [tilespmem:s11+$0x40];
	[tilespmem:v18+s22+$0x0] =	vst.idx.msk $0xffff, v13;
	(pc) =	sbr.rel @p1 .LBB2_3-.Ltmp0, $4  }
0x8f: {  	v17 =	vadd.f32 v17, v5;
	v18 =	vadd.f32 v24, v15;
	v12 =	vld [tilespmem:s2+$0x70];
	[tilespmem:v20+s22+$0x0] =	vst.idx.msk $0xffff, v25  }
0x90: {  	s14 =	sadd.s32 $0x3, s13;
	v15 =	vadd.s32 v2, v8;
	v13 =	vld [tilespmem:s0+$0x70]  }
0x91: {  	v24 =	vmov s14;
	v20 =	vld [tilespmem:s17+$0xFFFFFF80];
	[tilespmem:v14+s22+$0x0] =	vst.idx.msk $0xffff, v17;
	v18 =	vadd.f32 v18, v5;
	v17 =	vadd.f32 v23, v22  }
0x92: {  	s13 =	sadd.s32 $0x4, s13;
	v14 =	vand.u32 $0x7F, v24;
	v22 =	vld [tilespmem:s11+$0xFFFFFF80]  }
0x93: {  	v23 =	vld [tilespmem:s17+$0xFFFFFFC0]  }
0x94: {  	v24 =	vadd.s32 v0, v14;
	v25 =	vmov s18;
	v26 =	vld [tilespmem:s11+$0xFFFFFFC0]  }
0x95: {  	v19 =	vadd.f32 v21, v19;
	s13 =	sadd.s32 $0x1, s18;
	v42 =	vld [tilespmem:s17+$0x0];
	v21 =	vand.u32 $0x7C, v25  }
0x96: {  	v29 =	vld [tilespmem:s11+$0x0];
	v28 =	vmov s13;
	v27 =	vadd.s32 v0, v21  }
0x97: {  	s18 =	sadd.s32 $0x2, s18;
	v19 =	vadd.f32 v19, v11;
	v20 =	vadd.f32 v22, v20;
	v22 =	vand.u32 $0x7D, v28  }
0x98: {  	v30 =	vmov s18;
	v28 =	vadd.s32 v0, v22  }
0x99: {  	[tilespmem:v24+s22+$0x0] =	vst.idx.msk $0xffff, v19;
	v44 =	vadd.f32 v26, v23;
	v23 =	vand.u32 $0x7E, v30;
	v43 =	vadd.f32 v20, v11  }
0x9a: {  	v24 =	vld [tilespmem:s17+$0x50];
	v45 =	vadd.s32 v0, v23  }
0x9b: {  	v48 =	vadd.f32 v29, v42;
	v46 =	vld [tilespmem:s11+$0x50];
	v47 =	vadd.f32 v44, v11;
	[tilespmem:v27+s22+$0x0] =	vst.idx.msk $0xffff, v43  }
0x9c: {  	v49 =	vld [tilespmem:s17+$0xFFFFFF90]  }
0x9d: {  	v50 =	vadd.f32 v48, v11;
	v27 =	vld [tilespmem:s11+$0xFFFFFF90];
	[tilespmem:v28+s22+$0x0] =	vst.idx.msk $0xffff, v47  }
0x9e: {  	v19 =	vld [tilespmem:s17+$0xFFFFFFD0]  }
0x9f: {  	v51 =	vadd.s32 v1, v14;
	v28 =	vld [tilespmem:s11+$0xFFFFFFD0];
	[tilespmem:v45+s22+$0x0] =	vst.idx.msk $0xffff, v50  }
0xa0: {  	v52 =	vadd.f32 v46, v24;
	v53 =	vld [tilespmem:s17+$0x10]  }
0xa1: {  	v54 =	vadd.s32 v1, v21;
	v55 =	vld [tilespmem:s11+$0x10]  }
0xa2: {  	v56 =	vld [tilespmem:s2+$0xFFFFFFB0];
	v11 =	vadd.f32 v52, v10;
	v25 =	vadd.f32 v27, v49  }
0xa3: {  	v58 =	vld [tilespmem:s0+$0xFFFFFFB0];
	[tilespmem:v16+s22+$0x0] =	vst.idx.msk $0xffff, v18;
	v57 =	vadd.s32 v1, v22  }
0xa4: {  	v18 =	vld [tilespmem:s2+$0xFFFFFFF0];
	[tilespmem:v51+s22+$0x0] =	vst.idx.msk $0xffff, v11;
	v59 =	vadd.f32 v25, v10;
	v19 =	vadd.f32 v28, v19  }
0xa5: {  	v61 =	vadd.s32 v1, v23;
	v60 =	vld [tilespmem:s17+$0x60]  }
0xa6: {  	v62 =	vld [tilespmem:s11+$0x60];
	v24 =	vadd.f32 v55, v53;
	[tilespmem:v54+s22+$0x0] =	vst.idx.msk $0xffff, v59;
	v19 =	vadd.f32 v19, v10  }
0xa7: {  	v63 =	vld [tilespmem:s17+$0xFFFFFFA0]  }
0xa8: {  	v32 =	vld [tilespmem:s11+$0xFFFFFFA0];
	v33 =	vadd.f32 v24, v10;
	[tilespmem:v57+s22+$0x0] =	vst.idx.msk $0xffff, v19  }
0xa9: {  	v34 =	vld [tilespmem:s17+$0xFFFFFFE0]  }
0xaa: {  	v36 =	vadd.s32 v2, v14;
	v35 =	vld [tilespmem:s11+$0xFFFFFFE0];
	[tilespmem:v61+s22+$0x0] =	vst.idx.msk $0xffff, v33  }
0xab: {  	v17 =	vadd.f32 v17, v5;
	v37 =	vadd.f32 v62, v60;
	v20 =	vld [tilespmem:s17+$0x20]  }
0xac: {  	v38 =	vadd.s32 v2, v21;
	v39 =	vld [tilespmem:s11+$0x20]  }
0xad: {  	v40 =	vld [tilespmem:s0+$0xFFFFFFF0];
	[tilespmem:v15+s22+$0x0] =	vst.idx.msk $0xffff, v17;
	v10 =	vadd.f32 v37, v5;
	v19 =	vadd.f32 v32, v63  }
0xae: {  	v41 =	vadd.s32 v2, v22;
	v42 =	vld [tilespmem:s2+$0x30]  }
0xaf: {  	v43 =	vld [tilespmem:s0+$0x30];
	[tilespmem:v36+s22+$0x0] =	vst.idx.msk $0xffff, v10;
	v16 =	vadd.f32 v35, v34;
	v44 =	vadd.f32 v19, v5  }
0xb0: {  	v46 =	vadd.s32 v2, v23;
	v45 =	vld [tilespmem:s17+$0x70]  }
0xb1: {  	v48 =	vld [tilespmem:s11+$0x70];
	v47 =	vadd.f32 v39, v20;
	v16 =	vadd.f32 v16, v5;
	[tilespmem:v38+s22+$0x0] =	vst.idx.msk $0xffff, v44  }
0xb2: {  	v6 =	vadd.s32 v3, v6;
	v49 =	vld [tilespmem:s17+$0xFFFFFFB0]  }
0xb3: {  	v12 =	vadd.f32 v13, v12;
	v5 =	vadd.f32 v47, v5;
	v50 =	vld [tilespmem:s11+$0xFFFFFFB0];
	[tilespmem:v41+s22+$0x0] =	vst.idx.msk $0xffff, v16  }
0xb4: {  	v7 =	vadd.s32 v3, v7;
	v9 =	vadd.s32 v3, v9;
	v51 =	vld [tilespmem:s17+$0xFFFFFFF0]  }
0xb5: {  	v12 =	vadd.f32 v12, v4;
	v11 =	vadd.f32 v58, v56;
	[tilespmem:v46+s22+$0x0] =	vst.idx.msk $0xffff, v5;
	v5 =	vld [tilespmem:s11+$0xFFFFFFF0]  }
0xb6: {  	v8 =	vadd.s32 v3, v8;
	v52 =	vadd.f32 v40, v18;
	v53 =	vld [tilespmem:s17+$0x30]  }
0xb7: {  	[tilespmem:v6+s22+$0x0] =	vst.idx.msk $0xffff, v12;
	v56 =	vadd.f32 v43, v42;
	v11 =	vadd.f32 v11, v4;
	v55 =	vld [tilespmem:s11+$0x30]  }
0xb8: {  	v54 =	vadd.f32 v52, v4;
	v59 =	vadd.s32 v3, v21;
	v57 =	vadd.s32 v3, v14  }
0xb9: {  	[tilespmem:v7+s22+$0x0] =	vst.idx.msk $0xffff, v11;
	v7 =	vadd.f32 v56, v4;
	v58 =	vadd.f32 v48, v45  }
0xba: {  	[tilespmem:v9+s22+$0x0] =	vst.idx.msk $0xffff, v54;
	v60 =	vadd.s32 v3, v22;
	v10 =	vadd.f32 v50, v49  }
0xbb: {  	v61 =	vadd.s32 v3, v23;
	v6 =	vadd.f32 v58, v4;
	v5 =	vadd.f32 v5, v51  }
0xbc: {  	[tilespmem:v8+s22+$0x0] =	vst.idx.msk $0xffff, v7;
	v62 =	vadd.f32 v10, v4;
	v63 =	vadd.f32 v55, v53  }
0xbd: {  	s2 =	sshll.u32 s29, $0x13;
	[tilespmem:v57+s22+$0x0] =	vst.idx.msk $0xffff, v6;
	v5 =	vadd.f32 v5, v4  }
0xbe: {  	s0 =	sor.u32 s6, s2;
	[tilespmem:v59+s22+$0x0] =	vst.idx.msk $0xffff, v62;
	v4 =	vadd.f32 v63, v4  }
0xbf: {  	s0 =	sshrl.u32 s0, $0x3;
	[tilespmem:v60+s22+$0x0] =	vst.idx.msk $0xffff, v5  }
0xc0: {  	s2 =	sadd.s32 s1, s0;
	s11 =	simm.s32 $0x14800;
	[tilespmem:v61+s22+$0x0] =	vst.idx.msk $0xffff, v4  }
0xc1: {  	[hbm4b:s2+s3] =	stream.linear.scatter [tilespmem:s11], [sflag:$0x3], $0x80, $0x38;
	[tilespmem:$0x1BE00] =	vst v63  }
0xc2: {  	s13 =	simm.s32 $0x14888;
	s14 =	sadd.s32 $0x10, s2  }
0xc3: {  	[hbm4b:s14+s3] =	stream.linear.scatter [tilespmem:s13], [sflag:$0x3], $0x80, $0x38;
	[tilespmem:$0x1BE00] =	vst v63  }
0xc4: {  	s18 =	sadd.s32 $0x20, s2;
	s17 =	simm.s32 $0x14910  }
0xc5: {  	[hbm4b:s18+s3] =	stream.linear.scatter [tilespmem:s17], [sflag:$0x3], $0x80, $0x38;
	[tilespmem:$0x1BE00] =	vst v63  }
0xc6: {  	s13 =	simm.s32 $0x14998;
	s14 =	sadd.s32 $0x30, s2  }
0xc7: {  	[hbm4b:s14+s3] =	stream.linear.scatter [tilespmem:s13], [sflag:$0x3], $0x80, $0x38;
	[tilespmem:$0x1BE00] =	vst v63  }
0xc8: {  	s17 =	simm.s32 $0x14A20;
	s18 =	sadd.s32 $0x40, s2  }
0xc9: {  	[hbm4b:s18+s3] =	stream.linear.scatter [tilespmem:s17], [sflag:$0x3], $0x80, $0x38;
	[tilespmem:$0x1BE00] =	vst v63  }
0xca: {  	s0 =	simm.s32 $0x440;
	s13 =	simm.s32 $0x14AA8;
	s14 =	sadd.s32 $0x50, s2  }
0xcb: {  	[hbm4b:s14+s3] =	stream.linear.scatter [tilespmem:s13], [sflag:$0x3], $0x80, $0x38;
	[tilespmem:$0x1BE00] =	vst v63  }
0xcc: {  	s11 =	simm.s32 $0x2200;
	s17 =	simm.s32 $0x14B30;
	s18 =	sadd.s32 $0x60, s2  }
0xcd: {  	[hbm4b:s18+s3] =	stream.linear.scatter [tilespmem:s17], [sflag:$0x3], $0x80, $0x38;
	[tilespmem:$0x1BE00] =	vst v63  }
0xce: {  	s13 =	simm.s32 $0x14BB8;
	s17 =	sadd.s32 $0x70, s2;
	s2 =	sadd.s32 $0x1000, s2  }
.LBB2_5:
0xcf: {  	[hbm4b:s17+s3] =	stream.linear.scatter [tilespmem:s13], [sflag:$0x3], $0x80, $0x38;
	[tilespmem:$0x1BE00] =	vst v63  }
0xd0: {  	s13 =	smov.u32 s0;
	s0 =	smov.u32 s11  }
0xd1: {  	s14 =	sadd.s32 $0x1100, s11;
	s0 =	sshra.s32 s0, $0x2;
	s17 =	sadd.s32 $0x14800, s13  }
0xd2: {  	[hbm4b:s2+s3] =	stream.linear.scatter [tilespmem:s17], [sflag:$0x3], $0x80, $0x38;
	[tilespmem:$0x1BE00] =	vst v63  }
0xd3: {  	p1 =	sne.s32 s11, $0x7700;
	s11 =	sadd.s32 $0x14888, s13;
	s17 =	sadd.s32 $0x10, s2  }
0xd4: {  	[hbm4b:s17+s3] =	stream.linear.scatter [tilespmem:s11], [sflag:$0x3], $0x80, $0x38;
	[tilespmem:$0x1BE00] =	vst v63  }
0xd5: {  	s11 =	sadd.s32 $0x14910, s13;
	s17 =	sadd.s32 $0x20, s2  }
0xd6: {  	[hbm4b:s17+s3] =	stream.linear.scatter [tilespmem:s11], [sflag:$0x3], $0x80, $0x38;
	[tilespmem:$0x1BE00] =	vst v63  }
0xd7: {  	s11 =	sadd.s32 $0x14998, s13;
	s17 =	sadd.s32 $0x30, s2  }
0xd8: {  	[hbm4b:s17+s3] =	stream.linear.scatter [tilespmem:s11], [sflag:$0x3], $0x80, $0x38;
	[tilespmem:$0x1BE00] =	vst v63  }
0xd9: {  	s11 =	sadd.s32 $0x14A20, s13;
	s17 =	sadd.s32 $0x40, s2  }
0xda: {  	[hbm4b:s17+s3] =	stream.linear.scatter [tilespmem:s11], [sflag:$0x3], $0x80, $0x38;
	[tilespmem:$0x1BE00] =	vst v63  }
.Ltmp1:
0xdb: {  	s11 =	sadd.s32 $0x14AA8, s13;
	s17 =	sadd.s32 $0x50, s2;
	(pc) =	sbr.rel @p1 .LBB2_5-.Ltmp1, $4  }
0xdc: {  	[hbm4b:s17+s3] =	stream.linear.scatter [tilespmem:s11], [sflag:$0x3], $0x80, $0x38;
	[tilespmem:$0x1BE00] =	vst v63  }
0xdd: {  	s11 =	sadd.s32 $0x14B30, s13;
	s17 =	sadd.s32 $0x60, s2;
	s13 =	sadd.s32 $0x14BB8, s13  }
0xde: {  	[hbm4b:s17+s3] =	stream.linear.scatter [tilespmem:s11], [sflag:$0x3], $0x80, $0x38;
	[tilespmem:$0x1BE00] =	vst v63  }
0xdf: {  	s17 =	sadd.s32 $0x70, s2;
	s2 =	sadd.s32 $0x1000, s2;
	s11 =	smov.u32 s14  }
0xe0: {  	[hbm4b:s17+s3] =	stream.linear.scatter [tilespmem:s13], [sflag:$0x3], $0x80, $0x38;
	[tilespmem:$0x1BE00] =	vst v63  }
0xe1: {  	s11 =	sadd.s32 $0x14800, s0  }
0xe2: {  	[hbm4b:s2+s3] =	stream.linear.scatter [tilespmem:s11], [sflag:$0x3], $0x80, $0x38;
	[tilespmem:$0x1BE00] =	vst v63  }
0xe3: {  	s13 =	sadd.s32 $0x14888, s0;
	s14 =	sadd.s32 $0x10, s2  }
0xe4: {  	[hbm4b:s14+s3] =	stream.linear.scatter [tilespmem:s13], [sflag:$0x3], $0x80, $0x38;
	[tilespmem:$0x1BE00] =	vst v63  }
0xe5: {  	s17 =	sadd.s32 $0x14910, s0;
	s18 =	sadd.s32 $0x20, s2  }
0xe6: {  	[hbm4b:s18+s3] =	stream.linear.scatter [tilespmem:s17], [sflag:$0x3], $0x80, $0x38;
	[tilespmem:$0x1BE00] =	vst v63  }
0xe7: {  	s13 =	sadd.s32 $0x14998, s0;
	s14 =	sadd.s32 $0x30, s2  }
0xe8: {  	[hbm4b:s14+s3] =	stream.linear.scatter [tilespmem:s13], [sflag:$0x3], $0x80, $0x38;
	[tilespmem:$0x1BE00] =	vst v63  }
0xe9: {  	s17 =	sadd.s32 $0x14A20, s0;
	s18 =	sadd.s32 $0x40, s2  }
0xea: {  	[hbm4b:s18+s3] =	stream.linear.scatter [tilespmem:s17], [sflag:$0x3], $0x80, $0x38;
	[tilespmem:$0x1BE00] =	vst v63  }
0xeb: {  	s13 =	sadd.s32 $0x14AA8, s0;
	s14 =	sadd.s32 $0x50, s2  }
0xec: {  	[hbm4b:s14+s3] =	stream.linear.scatter [tilespmem:s13], [sflag:$0x3], $0x80, $0x38;
	[tilespmem:$0x1BE00] =	vst v63  }
0xed: {  	s17 =	sadd.s32 $0x14B30, s0;
	s18 =	sadd.s32 $0x60, s2  }
0xee: {  	[hbm4b:s18+s3] =	stream.linear.scatter [tilespmem:s17], [sflag:$0x3], $0x80, $0x38;
	[tilespmem:$0x1BE00] =	vst v63  }
0xef: {  	p1 =	seq.s32 s29, $0x63;
	s13 =	sadd.s32 $0x14BB8, s0;
	s14 =	sadd.s32 $0x70, s2  }
0xf0: {  	[hbm4b:s14+s3] =	stream.linear.scatter [tilespmem:s13], [sflag:$0x3], $0x80, $0x38;
	[tilespmem:$0x1BE00] =	vst v63  }
0xf1: {  	v4 =	vld @!p1 [tilespmem:s31+$0x100]  }
0xf2: {  	v5 =	vld @!p1 [tilespmem:s31+$0x110]  }
0xf3: {  	v6 =	vld @!p1 [tilespmem:s31+$0x120]  }
0xf4: {  	v7 =	vld @!p1 [tilespmem:s31+$0x130]  }
0xf5: {  	v8 =	vld @!p1 [tilespmem:s31+$0x140]  }
0xf6: {  	v9 =	vld @!p1 [tilespmem:s31+$0x150];
	vm0 =	vlt.s32 @!p1 v4, $0x2710  }
0xf7: {  	v10 =	vld @!p1 [tilespmem:s31+$0x160];
	v4 =	vnsel @!p1 vm0, $0x2710, v4;
	vm0 =	vlt.s32 @!p1 v5, $0x2710  }
0xf8: {  	[tilespmem:s31+$0x100] =	vst @!p1 v4;
	v4 =	vnsel @!p1 vm0, $0x2710, v5;
	vm0 =	vlt.s32 @!p1 v6, $0x2710;
	v5 =	vld @!p1 [tilespmem:s31+$0x170]  }
0xf9: {  	[tilespmem:s31+$0x110] =	vst @!p1 v4;
	v4 =	vnsel @!p1 vm0, $0x2710, v6;
	vm0 =	vlt.s32 @!p1 v7, $0x2710  }
0xfa: {  	[tilespmem:s31+$0x120] =	vst @!p1 v4;
	v4 =	vnsel @!p1 vm0, $0x2710, v7;
	vm0 =	vlt.s32 @!p1 v8, $0x2710  }
0xfb: {  	[tilespmem:s31+$0x130] =	vst @!p1 v4;
	v4 =	vnsel @!p1 vm0, $0x2710, v8;
	vm0 =	vlt.s32 @!p1 v9, $0x2710  }
0xfc: {  	[tilespmem:s31+$0x140] =	vst @!p1 v4;
	v4 =	vnsel @!p1 vm0, $0x2710, v9;
	vm0 =	vlt.s32 @!p1 v10, $0x2710  }
0xfd: {  	[tilespmem:s31+$0x150] =	vst @!p1 v4;
	v4 =	vnsel @!p1 vm0, $0x2710, v10;
	vm0 =	vlt.s32 @!p1 v5, $0x2710  }
0xfe: {  	[tilespmem:s31+$0x160] =	vst @!p1 v4;
	v4 =	vnsel @!p1 vm0, $0x2710, v5  }
0xff: {  	s11 =	simm.s32 @!p1 $0xC800;
	s0 =	sadd.s32 @!p1 $0x100, s31;
	s2 =	simm.s32 @!p1 $0x80;
	[tilespmem:s31+$0x170] =	vst @!p1 v4  }
0x100: {  	[tilespmem:s11], [sflag:$0x1] =	stream.indirect.gather @!p1 [hbm4b:s4+s2], $0x40, s0, s2, $0xb8;
	[tilespmem:$0x1BE00] =	vst v63  }
0x101: {  	s0 =	sadd.s32 @!p1 $0x6500, s31;
	s11 =	simm.s32 @!p1 $0x10800  }
0x102: {  	[tilespmem:s11], [sflag:$0x1] =	stream.indirect.gather @!p1 [hbm4b:s5+s2], $0x40, s0, s2, $0xb8;
	[tilespmem:$0x1BE00] =	vst v63  }
0x103: {  	_ =	swait.ge [sflag:s23], $0x2000  }
0x104: {  	[sflag:s23] =	ssyncset.done $0x0  }
0x105: {  	[sflag:s23] =	ssyncadd.s32 $0xFFFFE000  }
0x106: {  	_ =	swait.ge [sflag:s23], $0x2000  }
0x107: {  	[sflag:s23] =	ssyncset.done $0x0  }
0x108: {  	s0 =	simm.s32 @!p0 $0x4;
	[sflag:s23] =	ssyncadd.s32 $0xFFFFE000  }
0x109: {  	_ =	swait.ge @!p0 [sflag:s0], $0x2000  }
0x10a: {  	s17 =	sshll.u32 s30, $0x6;
	[sflag:s0] =	ssyncset.done @!p0 $0x0  }
0x10b: {  	s18 =	sand.u32 $0x3FFFFFC0, s17;
	[sflag:s0] =	ssyncadd.s32 @!p0 $0xFFFFE000  }
0x10c: {  	v11 =	vld [tilespmem:s18+$0x18C00]  }
0x10d: {  	s2 =	simm.s32 $0xE8F0;
	v10 =	vld [tilespmem:s18+$0x18C10]  }
0x10e: {  	s0 =	simm.s32 $0x128F0;
	v4 =	vld [tilespmem:s2+$0xFFFFFFD0]  }
0x10f: {  	v7 =	vld [tilespmem:s0+$0xFFFFFFD0]  }
0x110: {  	s31 =	simm.s32 $0x3;
	v5 =	vld [tilespmem:s18+$0x18C20]  }
0x111: {  	v6 =	vmov s31;
	v8 =	vld [tilespmem:s2+$0xFFFFFF10]  }
0x112: {  	v6 =	vand.u32 $0x7F, v6;
	v9 =	vld [tilespmem:s0+$0xFFFFFF10]  }
0x113: {  	s14 =	simm.s32 $0x0;
	v13 =	vadd.s32 v0, v6;
	v12 =	vld [tilespmem:s2+$0xFFFFFF50]  }
0x114: {  	v14 =	vmov s14;
	v15 =	vld [tilespmem:s0+$0xFFFFFF50];
	v4 =	vadd.f32 v7, v4  }
0x115: {  	s17 =	simm.s32 $0x1;
	v18 =	vld [tilespmem:s0+$0xFFFFFF90];
	v7 =	vand.u32 $0x7C, v14  }
0x116: {  	v17 =	vmov s17;
	v14 =	vld [tilespmem:s2+$0xFFFFFF90];
	v16 =	vadd.s32 v0, v7;
	v19 =	vadd.f32 v4, v11  }
0x117: {  	v8 =	vadd.f32 v9, v8;
	v9 =	vand.u32 $0x7D, v17;
	v4 =	vld [tilespmem:s18+$0x18C30];
	s18 =	simm.s32 $0x2  }
0x118: {  	v17 =	vadd.s32 v0, v9;
	v20 =	vmov s18;
	[tilespmem:v13+s24+$0x0] =	vst.idx.msk $0xffff, v19  }
0x119: {  	v12 =	vadd.f32 v15, v12;
	v13 =	vadd.f32 v8, v11;
	v8 =	vand.u32 $0x7E, v20;
	v15 =	vld [tilespmem:s2+$0xFFFFFFE0]  }
0x11a: {  	v19 =	vadd.s32 v0, v8;
	v20 =	vld [tilespmem:s0+$0xFFFFFFE0]  }
0x11b: {  	v12 =	vadd.f32 v12, v11;
	[tilespmem:v16+s24+$0x0] =	vst.idx.msk $0xffff, v13;
	v13 =	vadd.f32 v18, v14  }
0x11c: {  	v14 =	vld [tilespmem:s2+$0xFFFFFF20]  }
0x11d: {  	[tilespmem:v17+s24+$0x0] =	vst.idx.msk $0xffff, v12;
	v16 =	vld [tilespmem:s0+$0xFFFFFF20];
	v12 =	vadd.f32 v13, v11  }
0x11e: {  	v17 =	vadd.s32 v1, v6;
	v18 =	vld [tilespmem:s0+$0xFFFFFF60]  }
0x11f: {  	v13 =	vld [tilespmem:s2+$0xFFFFFF60];
	[tilespmem:v19+s24+$0x0] =	vst.idx.msk $0xffff, v12;
	v12 =	vadd.f32 v20, v15  }
0x120: {  	v15 =	vld [tilespmem:s2+$0xFFFFFFA0]  }
0x121: {  	v19 =	vadd.s32 v1, v7;
	v20 =	vld [tilespmem:s0+$0xFFFFFFA0];
	v12 =	vadd.f32 v12, v10  }
0x122: {  	v14 =	vadd.f32 v16, v14  }
0x123: {  	v16 =	vadd.s32 v1, v9;
	[tilespmem:v17+s24+$0x0] =	vst.idx.msk $0xffff, v12  }
0x124: {  	v13 =	vadd.f32 v18, v13;
	v12 =	vadd.f32 v14, v10;
	v14 =	vld [tilespmem:s2+$0xFFFFFFF0]  }
0x125: {  	v17 =	vadd.s32 v1, v8;
	v18 =	vld [tilespmem:s0+$0xFFFFFFF0]  }
0x126: {  	[tilespmem:v19+s24+$0x0] =	vst.idx.msk $0xffff, v12;
	v12 =	vadd.f32 v13, v10;
	v13 =	vadd.f32 v20, v15  }
0x127: {  	v15 =	vld [tilespmem:s2+$0xFFFFFF30]  }
0x128: {  	v20 =	vld [tilespmem:s0+$0xFFFFFF30];
	[tilespmem:v16+s24+$0x0] =	vst.idx.msk $0xffff, v12;
	v12 =	vadd.f32 v13, v10  }
0x129: {  	v16 =	vadd.s32 v2, v6;
	v13 =	vld [tilespmem:s2+$0xFFFFFF70]  }
0x12a: {  	v22 =	vld [tilespmem:s0+$0xFFFFFF70];
	[tilespmem:v17+s24+$0x0] =	vst.idx.msk $0xffff, v12;
	v12 =	vadd.f32 v18, v14  }
0x12b: {  	v14 =	vld [tilespmem:s2+$0xFFFFFFB0]  }
0x12c: {  	s11 =	simm.s32 $0x129F0;
	v18 =	vadd.s32 v2, v7;
	v17 =	vld [tilespmem:s0+$0xFFFFFFB0];
	v12 =	vadd.f32 v12, v5  }
0x12d: {  	s17 =	simm.s32 $0xE9F0;
	v21 =	vld [tilespmem:s11+$0xFFFFFFD0];
	v15 =	vadd.f32 v20, v15  }
0x12e: {  	v19 =	vld [tilespmem:s17+$0xFFFFFFD0];
	[tilespmem:v16+s24+$0x0] =	vst.idx.msk $0xffff, v12;
	v16 =	vadd.s32 v2, v9  }
0x12f: {  	v23 =	vadd.f32 v15, v5;
	v22 =	vadd.f32 v22, v13;
	v12 =	vld [tilespmem:s2+$0x0]  }
0x130: {  	s31 =	simm.s32 $0x7;
	v15 =	vadd.s32 v2, v8;
	v13 =	vld [tilespmem:s0+$0x0]  }
0x131: {  	v24 =	vmov s31;
	v20 =	vld [tilespmem:s17+$0xFFFFFF10];
	[tilespmem:v18+s24+$0x0] =	vst.idx.msk $0xffff, v23;
	v18 =	vadd.f32 v22, v5;
	v17 =	vadd.f32 v17, v14  }
0x132: {  	s13 =	simm.s32 $0x8;
	s18 =	simm.s32 $0x4;
	v22 =	vld [tilespmem:s11+$0xFFFFFF10];
	v14 =	vand.u32 $0x7F, v24  }
.LBB2_7:
0x133: {  	p0 =	slt.u32 s13, $0x7C;
	v23 =	vld [tilespmem:s17+$0xFFFFFF50];
	v24 =	vadd.s32 v0, v14;
	[tilespmem:v16+s24+$0x0] =	vst.idx.msk $0xffff, v18;
	v16 =	vadd.f32 v17, v5  }
0x134: {  	v17 =	vmov s18;
	v19 =	vadd.f32 v21, v19;
	v21 =	vadd.s32 v3, v6;
	v6 =	vmovc v14;
	v18 =	vld [tilespmem:s11+$0xFFFFFF50]  }
0x135: {  	s14 =	sadd.s32 $0x1, s18;
	v14 =	vand.u32 $0x7C, v17;
	v17 =	vld [tilespmem:s17+$0xFFFFFF90];
	[tilespmem:v15+s24+$0x0] =	vst.idx.msk $0xffff, v16;
	v12 =	vadd.f32 v13, v12  }
0x136: {  	v13 =	vadd.s32 v0, v14;
	v15 =	vmov s14;
	v19 =	vadd.f32 v19, v11;
	v16 =	vld [tilespmem:s11+$0xFFFFFF90]  }
0x137: {  	s14 =	sadd.s32 $0x2, s18;
	s18 =	smov.u32 s13;
	v15 =	vand.u32 $0x7D, v15;
	v20 =	vadd.f32 v22, v20;
	v22 =	vld [tilespmem:s2+$0xFFFFFF40];
	v12 =	vadd.f32 v12, v4  }
0x138: {  	v26 =	vmov s14;
	v25 =	vadd.s32 v0, v15;
	[tilespmem:v24+s24+$0x0] =	vst.idx.msk $0xffff, v19;
	v19 =	vld [tilespmem:s0+$0xFFFFFF40]  }
0x139: {  	v20 =	vadd.f32 v20, v11;
	v18 =	vadd.f32 v18, v23;
	v23 =	vand.u32 $0x7E, v26;
	v24 =	vld [tilespmem:s17+$0xFFFFFFE0];
	[tilespmem:v21+s24+$0x0] =	vst.idx.msk $0xffff, v12  }
0x13a: {  	v12 =	vadd.s32 v0, v23;
	v21 =	vld [tilespmem:s11+$0xFFFFFFE0]  }
0x13b: {  	[tilespmem:v13+s24+$0x0] =	vst.idx.msk $0xffff, v20;
	v13 =	vadd.f32 v18, v11;
	v16 =	vadd.f32 v16, v17;
	v17 =	vld [tilespmem:s2+$0xFFFFFF80]  }
0x13c: {  	v20 =	vadd.s32 v3, v7;
	v7 =	vmov v14;
	v18 =	vld [tilespmem:s17+$0xFFFFFF20]  }
0x13d: {  	v14 =	vld [tilespmem:s11+$0xFFFFFF20];
	[tilespmem:v25+s24+$0x0] =	vst.idx.msk $0xffff, v13;
	v13 =	vadd.f32 v16, v11;
	v16 =	vadd.f32 v19, v22  }
0x13e: {  	v22 =	vadd.s32 v1, v6;
	v19 =	vld [tilespmem:s17+$0xFFFFFF60]  }
0x13f: {  	v25 =	vld [tilespmem:s11+$0xFFFFFF60];
	[tilespmem:v12+s24+$0x0] =	vst.idx.msk $0xffff, v13;
	v12 =	vadd.f32 v21, v24;
	v13 =	vadd.f32 v16, v4  }
0x140: {  	v16 =	vld [tilespmem:s17+$0xFFFFFFA0]  }
0x141: {  	v21 =	vadd.s32 v1, v7;
	v24 =	vld [tilespmem:s11+$0xFFFFFFA0];
	v12 =	vadd.f32 v12, v10;
	[tilespmem:v20+s24+$0x0] =	vst.idx.msk $0xffff, v13  }
0x142: {  	v13 =	vadd.f32 v14, v18;
	v14 =	vld [tilespmem:s0+$0xFFFFFF80]  }
0x143: {  	v18 =	vadd.s32 v1, v15;
	[tilespmem:v22+s24+$0x0] =	vst.idx.msk $0xffff, v12;
	v12 =	vld [tilespmem:s2+$0xFFFFFFC0];
	s2 =	smov.u32 s17  }
0x144: {  	v13 =	vadd.f32 v13, v10;
	v19 =	vadd.f32 v25, v19;
	v20 =	vld [tilespmem:s17+$0xFFFFFFF0]  }
0x145: {  	v26 =	vadd.s32 v3, v9;
	v9 =	vmov v15;
	v22 =	vadd.s32 v1, v23;
	v25 =	vld [tilespmem:s11+$0xFFFFFFF0]  }
0x146: {  	[tilespmem:v21+s24+$0x0] =	vst.idx.msk $0xffff, v13;
	v13 =	vadd.f32 v19, v10;
	v15 =	vadd.f32 v24, v16;
	v16 =	vld [tilespmem:s0+$0xFFFFFFC0];
	s0 =	smov.u32 s11  }
0x147: {  	v21 =	vld [tilespmem:s17+$0xFFFFFF30];
	v14 =	vadd.f32 v14, v17  }
0x148: {  	v17 =	vld [tilespmem:s11+$0xFFFFFF30];
	[tilespmem:v18+s24+$0x0] =	vst.idx.msk $0xffff, v13;
	v13 =	vadd.f32 v15, v10  }
0x149: {  	v18 =	vadd.s32 v2, v6;
	v15 =	vld [tilespmem:s17+$0xFFFFFF70];
	v14 =	vadd.f32 v14, v4  }
0x14a: {  	v24 =	vld [tilespmem:s11+$0xFFFFFF70];
	[tilespmem:v22+s24+$0x0] =	vst.idx.msk $0xffff, v13;
	v13 =	vadd.f32 v25, v20;
	v20 =	vadd.s32 v3, v8;
	v8 =	vmov v23  }
0x14b: {  	v22 =	vld [tilespmem:s17+$0xFFFFFFB0];
	[tilespmem:v26+s24+$0x0] =	vst.idx.msk $0xffff, v14;
	v12 =	vadd.f32 v16, v12  }
0x14c: {  	v14 =	vadd.s32 v2, v7;
	s17 =	sadd.s32 $0x100, s17;
	v23 =	vld [tilespmem:s11+$0xFFFFFFB0];
	v13 =	vadd.f32 v13, v5  }
0x14d: {  	s11 =	sadd.s32 $0x100, s11;
	v19 =	vld [tilespmem:s17+$0xFFFFFFD0];
	v17 =	vadd.f32 v17, v21;
	v25 =	vadd.f32 v12, v4  }
.Ltmp2:
0x14e: {  	v16 =	vadd.s32 v2, v9;
	v21 =	vld [tilespmem:s11+$0xFFFFFFD0];
	[tilespmem:v18+s24+$0x0] =	vst.idx.msk $0xffff, v13;
	(pc) =	sbr.rel @p0 .LBB2_7-.Ltmp2, $4  }
0x14f: {  	v17 =	vadd.f32 v17, v5;
	v18 =	vadd.f32 v24, v15;
	v12 =	vld [tilespmem:s2+$0x0];
	[tilespmem:v20+s24+$0x0] =	vst.idx.msk $0xffff, v25  }
0x150: {  	s14 =	sadd.s32 $0x3, s13;
	v15 =	vadd.s32 v2, v8;
	v13 =	vld [tilespmem:s0+$0x0]  }
0x151: {  	v24 =	vmov s14;
	v20 =	vld [tilespmem:s17+$0xFFFFFF10];
	[tilespmem:v14+s24+$0x0] =	vst.idx.msk $0xffff, v17;
	v18 =	vadd.f32 v18, v5;
	v17 =	vadd.f32 v23, v22  }
0x152: {  	s13 =	sadd.s32 $0x4, s13;
	v14 =	vand.u32 $0x7F, v24;
	v22 =	vld [tilespmem:s11+$0xFFFFFF10]  }
0x153: {  	v23 =	vld [tilespmem:s17+$0xFFFFFF50]  }
0x154: {  	v24 =	vadd.s32 v0, v14;
	v25 =	vmov s18;
	v26 =	vld [tilespmem:s11+$0xFFFFFF50]  }
0x155: {  	v19 =	vadd.f32 v21, v19;
	s13 =	sadd.s32 $0x1, s18;
	v42 =	vld [tilespmem:s17+$0xFFFFFF90];
	v21 =	vand.u32 $0x7C, v25  }
0x156: {  	v29 =	vld [tilespmem:s11+$0xFFFFFF90];
	v28 =	vmov s13;
	v27 =	vadd.s32 v0, v21  }
0x157: {  	s31 =	sadd.s32 $0x2, s18;
	v19 =	vadd.f32 v19, v11;
	v20 =	vadd.f32 v22, v20;
	v22 =	vand.u32 $0x7D, v28  }
0x158: {  	v30 =	vmov s31;
	v28 =	vadd.s32 v0, v22  }
0x159: {  	[tilespmem:v24+s24+$0x0] =	vst.idx.msk $0xffff, v19;
	v44 =	vadd.f32 v26, v23;
	v23 =	vand.u32 $0x7E, v30;
	v43 =	vadd.f32 v20, v11  }
0x15a: {  	v24 =	vld [tilespmem:s17+$0xFFFFFFE0];
	v45 =	vadd.s32 v0, v23  }
0x15b: {  	v48 =	vadd.f32 v29, v42;
	v46 =	vld [tilespmem:s11+$0xFFFFFFE0];
	v47 =	vadd.f32 v44, v11;
	[tilespmem:v27+s24+$0x0] =	vst.idx.msk $0xffff, v43  }
0x15c: {  	v49 =	vld [tilespmem:s17+$0xFFFFFF20]  }
0x15d: {  	v50 =	vadd.f32 v48, v11;
	v27 =	vld [tilespmem:s11+$0xFFFFFF20];
	[tilespmem:v28+s24+$0x0] =	vst.idx.msk $0xffff, v47  }
0x15e: {  	v19 =	vld [tilespmem:s17+$0xFFFFFF60]  }
0x15f: {  	v51 =	vadd.s32 v1, v14;
	v28 =	vld [tilespmem:s11+$0xFFFFFF60];
	[tilespmem:v45+s24+$0x0] =	vst.idx.msk $0xffff, v50  }
0x160: {  	v52 =	vadd.f32 v46, v24;
	v53 =	vld [tilespmem:s17+$0xFFFFFFA0]  }
0x161: {  	v54 =	vadd.s32 v1, v21;
	v55 =	vld [tilespmem:s11+$0xFFFFFFA0]  }
0x162: {  	v56 =	vld [tilespmem:s2+$0xFFFFFF40];
	v11 =	vadd.f32 v52, v10;
	v25 =	vadd.f32 v27, v49  }
0x163: {  	v58 =	vld [tilespmem:s0+$0xFFFFFF40];
	[tilespmem:v16+s24+$0x0] =	vst.idx.msk $0xffff, v18;
	v57 =	vadd.s32 v1, v22  }
0x164: {  	v18 =	vld [tilespmem:s2+$0xFFFFFF80];
	[tilespmem:v51+s24+$0x0] =	vst.idx.msk $0xffff, v11;
	v59 =	vadd.f32 v25, v10;
	v19 =	vadd.f32 v28, v19  }
0x165: {  	v61 =	vadd.s32 v1, v23;
	v60 =	vld [tilespmem:s17+$0xFFFFFFF0]  }
0x166: {  	v62 =	vld [tilespmem:s11+$0xFFFFFFF0];
	v24 =	vadd.f32 v55, v53;
	[tilespmem:v54+s24+$0x0] =	vst.idx.msk $0xffff, v59;
	v19 =	vadd.f32 v19, v10  }
0x167: {  	v63 =	vld [tilespmem:s17+$0xFFFFFF30]  }
0x168: {  	v32 =	vld [tilespmem:s11+$0xFFFFFF30];
	v33 =	vadd.f32 v24, v10;
	[tilespmem:v57+s24+$0x0] =	vst.idx.msk $0xffff, v19  }
0x169: {  	v34 =	vld [tilespmem:s17+$0xFFFFFF70]  }
0x16a: {  	v36 =	vadd.s32 v2, v14;
	v35 =	vld [tilespmem:s11+$0xFFFFFF70];
	[tilespmem:v61+s24+$0x0] =	vst.idx.msk $0xffff, v33  }
0x16b: {  	v17 =	vadd.f32 v17, v5;
	v37 =	vadd.f32 v62, v60;
	v20 =	vld [tilespmem:s17+$0xFFFFFFB0]  }
0x16c: {  	v38 =	vadd.s32 v2, v21;
	v39 =	vld [tilespmem:s11+$0xFFFFFFB0]  }
0x16d: {  	v40 =	vld [tilespmem:s0+$0xFFFFFF80];
	[tilespmem:v15+s24+$0x0] =	vst.idx.msk $0xffff, v17;
	v10 =	vadd.f32 v37, v5;
	v19 =	vadd.f32 v32, v63  }
0x16e: {  	v41 =	vadd.s32 v2, v22;
	v42 =	vld [tilespmem:s2+$0xFFFFFFC0]  }
0x16f: {  	v43 =	vld [tilespmem:s0+$0xFFFFFFC0];
	[tilespmem:v36+s24+$0x0] =	vst.idx.msk $0xffff, v10;
	v16 =	vadd.f32 v35, v34;
	v44 =	vadd.f32 v19, v5  }
0x170: {  	v46 =	vadd.s32 v2, v23;
	v45 =	vld [tilespmem:s17+$0x0]  }
0x171: {  	v48 =	vld [tilespmem:s11+$0x0];
	v47 =	vadd.f32 v39, v20;
	v16 =	vadd.f32 v16, v5;
	[tilespmem:v38+s24+$0x0] =	vst.idx.msk $0xffff, v44  }
0x172: {  	v6 =	vadd.s32 v3, v6;
	v49 =	vld [tilespmem:s17+$0xFFFFFF40]  }
0x173: {  	v12 =	vadd.f32 v13, v12;
	v5 =	vadd.f32 v47, v5;
	v50 =	vld [tilespmem:s11+$0xFFFFFF40];
	[tilespmem:v41+s24+$0x0] =	vst.idx.msk $0xffff, v16  }
0x174: {  	v7 =	vadd.s32 v3, v7;
	v9 =	vadd.s32 v3, v9;
	v51 =	vld [tilespmem:s17+$0xFFFFFF80]  }
0x175: {  	v12 =	vadd.f32 v12, v4;
	v11 =	vadd.f32 v58, v56;
	[tilespmem:v46+s24+$0x0] =	vst.idx.msk $0xffff, v5;
	v5 =	vld [tilespmem:s11+$0xFFFFFF80]  }
0x176: {  	v8 =	vadd.s32 v3, v8;
	v52 =	vadd.f32 v40, v18;
	v53 =	vld [tilespmem:s17+$0xFFFFFFC0]  }
0x177: {  	[tilespmem:v6+s24+$0x0] =	vst.idx.msk $0xffff, v12;
	v56 =	vadd.f32 v43, v42;
	v11 =	vadd.f32 v11, v4;
	v55 =	vld [tilespmem:s11+$0xFFFFFFC0]  }
0x178: {  	v54 =	vadd.f32 v52, v4;
	v59 =	vadd.s32 v3, v21;
	v57 =	vadd.s32 v3, v14  }
0x179: {  	[tilespmem:v7+s24+$0x0] =	vst.idx.msk $0xffff, v11;
	v7 =	vadd.f32 v56, v4;
	v58 =	vadd.f32 v48, v45  }
0x17a: {  	[tilespmem:v9+s24+$0x0] =	vst.idx.msk $0xffff, v54;
	v60 =	vadd.s32 v3, v22;
	v10 =	vadd.f32 v50, v49  }
0x17b: {  	v61 =	vadd.s32 v3, v23;
	v6 =	vadd.f32 v58, v4;
	v5 =	vadd.f32 v5, v51  }
0x17c: {  	[tilespmem:v8+s24+$0x0] =	vst.idx.msk $0xffff, v7;
	v62 =	vadd.f32 v10, v4;
	v63 =	vadd.f32 v55, v53  }
0x17d: {  	s2 =	sshll.u32 s30, $0x12;
	[tilespmem:v57+s24+$0x0] =	vst.idx.msk $0xffff, v6;
	v5 =	vadd.f32 v5, v4  }
0x17e: {  	s0 =	sor.u32 s6, s2;
	[tilespmem:v59+s24+$0x0] =	vst.idx.msk $0xffff, v62;
	v4 =	vadd.f32 v63, v4  }
0x17f: {  	s0 =	sshrl.u32 s0, $0x3;
	[tilespmem:v60+s24+$0x0] =	vst.idx.msk $0xffff, v5  }
0x180: {  	s2 =	sadd.s32 s1, s0;
	s11 =	simm.s32 $0x16A00;
	[tilespmem:v61+s24+$0x0] =	vst.idx.msk $0xffff, v4  }
0x181: {  	[hbm4b:s2+s3] =	stream.linear.scatter [tilespmem:s11], [sflag:$0x4], $0x80, $0x38;
	[tilespmem:$0x1BE00] =	vst v63  }
0x182: {  	s13 =	simm.s32 $0x16A88;
	s14 =	sadd.s32 $0x10, s2  }
0x183: {  	[hbm4b:s14+s3] =	stream.linear.scatter [tilespmem:s13], [sflag:$0x4], $0x80, $0x38;
	[tilespmem:$0x1BE00] =	vst v63  }
0x184: {  	s30 =	simm.s32 $0x16B98;
	s18 =	sadd.s32 $0x20, s2;
	s17 =	simm.s32 $0x16B10  }
0x185: {  	[hbm4b:s18+s3] =	stream.linear.scatter [tilespmem:s17], [sflag:$0x4], $0x80, $0x38;
	[tilespmem:$0x1BE00] =	vst v63  }
0x186: {  	s0 =	simm.s32 $0x440;
	s31 =	sadd.s32 $0x30, s2;
	s11 =	simm.s32 $0x2200  }
0x187: {  	[hbm4b:s31+s3] =	stream.linear.scatter [tilespmem:s30], [sflag:$0x4], $0x80, $0x38;
	[tilespmem:$0x1BE00] =	vst v63  }
0x188: {  	s13 =	simm.s32 $0x16C20;
	s14 =	sadd.s32 $0x40, s2;
	s17 =	simm.s32 $0x16CA8  }
0x189: {  	[hbm4b:s14+s3] =	stream.linear.scatter [tilespmem:s13], [sflag:$0x4], $0x80, $0x38;
	[tilespmem:$0x1BE00] =	vst v63  }
0x18a: {  	s18 =	sadd.s32 $0x50, s2;
	s30 =	simm.s32 $0x16D30;
	s31 =	sadd.s32 $0x60, s2  }
0x18b: {  	[hbm4b:s18+s3] =	stream.linear.scatter [tilespmem:s17], [sflag:$0x4], $0x80, $0x38;
	[tilespmem:$0x1BE00] =	vst v63  }
0x18c: {  	s13 =	simm.s32 $0x16DB8;
	s17 =	sadd.s32 $0x70, s2;
	s2 =	sadd.s32 $0x1000, s2  }
0x18d: {  	[hbm4b:s31+s3] =	stream.linear.scatter [tilespmem:s30], [sflag:$0x4], $0x80, $0x38;
	[tilespmem:$0x1BE00] =	vst v63  }
.LBB2_9:
0x18e: {  	[hbm4b:s17+s3] =	stream.linear.scatter [tilespmem:s13], [sflag:$0x4], $0x80, $0x38;
	[tilespmem:$0x1BE00] =	vst v63  }
0x18f: {  	s13 =	smov.u32 s0;
	s0 =	smov.u32 s11  }
0x190: {  	s14 =	sadd.s32 $0x1100, s11;
	s0 =	sshra.s32 s0, $0x2;
	s17 =	sadd.s32 $0x16A00, s13  }
0x191: {  	[hbm4b:s2+s3] =	stream.linear.scatter [tilespmem:s17], [sflag:$0x4], $0x80, $0x38;
	[tilespmem:$0x1BE00] =	vst v63  }
0x192: {  	p0 =	sne.s32 s11, $0x7700;
	s11 =	sadd.s32 $0x16A88, s13;
	s17 =	sadd.s32 $0x10, s2  }
0x193: {  	[hbm4b:s17+s3] =	stream.linear.scatter [tilespmem:s11], [sflag:$0x4], $0x80, $0x38;
	[tilespmem:$0x1BE00] =	vst v63  }
0x194: {  	s11 =	sadd.s32 $0x16B10, s13;
	s17 =	sadd.s32 $0x20, s2  }
0x195: {  	[hbm4b:s17+s3] =	stream.linear.scatter [tilespmem:s11], [sflag:$0x4], $0x80, $0x38;
	[tilespmem:$0x1BE00] =	vst v63  }
0x196: {  	s11 =	sadd.s32 $0x16B98, s13;
	s17 =	sadd.s32 $0x30, s2  }
0x197: {  	[hbm4b:s17+s3] =	stream.linear.scatter [tilespmem:s11], [sflag:$0x4], $0x80, $0x38;
	[tilespmem:$0x1BE00] =	vst v63  }
0x198: {  	s11 =	sadd.s32 $0x16C20, s13;
	s17 =	sadd.s32 $0x40, s2  }
0x199: {  	[hbm4b:s17+s3] =	stream.linear.scatter [tilespmem:s11], [sflag:$0x4], $0x80, $0x38;
	[tilespmem:$0x1BE00] =	vst v63  }
.Ltmp3:
0x19a: {  	s11 =	sadd.s32 $0x16CA8, s13;
	s17 =	sadd.s32 $0x50, s2;
	(pc) =	sbr.rel @p0 .LBB2_9-.Ltmp3, $4  }
0x19b: {  	[hbm4b:s17+s3] =	stream.linear.scatter [tilespmem:s11], [sflag:$0x4], $0x80, $0x38;
	[tilespmem:$0x1BE00] =	vst v63  }
0x19c: {  	s11 =	sadd.s32 $0x16D30, s13;
	s17 =	sadd.s32 $0x60, s2;
	s13 =	sadd.s32 $0x16DB8, s13  }
0x19d: {  	[hbm4b:s17+s3] =	stream.linear.scatter [tilespmem:s11], [sflag:$0x4], $0x80, $0x38;
	[tilespmem:$0x1BE00] =	vst v63  }
0x19e: {  	s17 =	sadd.s32 $0x70, s2;
	s2 =	sadd.s32 $0x1000, s2;
	s11 =	smov.u32 s14  }
0x19f: {  	[hbm4b:s17+s3] =	stream.linear.scatter [tilespmem:s13], [sflag:$0x4], $0x80, $0x38;
	[tilespmem:$0x1BE00] =	vst v63  }
0x1a0: {  	s11 =	sadd.s32 $0x16A00, s0  }
0x1a1: {  	[hbm4b:s2+s3] =	stream.linear.scatter [tilespmem:s11], [sflag:$0x4], $0x80, $0x38;
	[tilespmem:$0x1BE00] =	vst v63  }
0x1a2: {  	s30 =	sadd.s32 $0x16A88, s0;
	s31 =	sadd.s32 $0x10, s2  }
0x1a3: {  	[hbm4b:s31+s3] =	stream.linear.scatter [tilespmem:s30], [sflag:$0x4], $0x80, $0x38;
	[tilespmem:$0x1BE00] =	vst v63  }
0x1a4: {  	s13 =	sadd.s32 $0x16B10, s0;
	s14 =	sadd.s32 $0x20, s2  }
0x1a5: {  	[hbm4b:s14+s3] =	stream.linear.scatter [tilespmem:s13], [sflag:$0x4], $0x80, $0x38;
	[tilespmem:$0x1BE00] =	vst v63  }
0x1a6: {  	s17 =	sadd.s32 $0x16B98, s0;
	s18 =	sadd.s32 $0x30, s2  }
0x1a7: {  	[hbm4b:s18+s3] =	stream.linear.scatter [tilespmem:s17], [sflag:$0x4], $0x80, $0x38;
	[tilespmem:$0x1BE00] =	vst v63  }
0x1a8: {  	s29 =	sadd.s32 $0x1, s29;
	s30 =	sadd.s32 $0x16C20, s0;
	s31 =	sadd.s32 $0x40, s2  }
0x1a9: {  	[hbm4b:s31+s3] =	stream.linear.scatter [tilespmem:s30], [sflag:$0x4], $0x80, $0x38;
	[tilespmem:$0x1BE00] =	vst v63  }
0x1aa: {  	p0 =	sne.s32 s29, $0x64;
	s13 =	sadd.s32 $0x16CA8, s0;
	s14 =	sadd.s32 $0x50, s2  }
0x1ab: {  	[hbm4b:s14+s3] =	stream.linear.scatter [tilespmem:s13], [sflag:$0x4], $0x80, $0x38;
	[tilespmem:$0x1BE00] =	vst v63  }
.Ltmp4:
0x1ac: {  	_ = 	snop;
	(pc) =	sbr.rel @p0 .LBB2_2-.Ltmp4, $4  }
0x1ad: {  	s17 =	sadd.s32 $0x16D30, s0;
	s18 =	sadd.s32 $0x60, s2  }
0x1ae: {  	[hbm4b:s18+s3] =	stream.linear.scatter [tilespmem:s17], [sflag:$0x4], $0x80, $0x38;
	[tilespmem:$0x1BE00] =	vst v63  }
0x1af: {  	s30 =	sadd.s32 $0x16DB8, s0;
	s31 =	sadd.s32 $0x70, s2  }
0x1b0: {  	[hbm4b:s31+s3] =	stream.linear.scatter [tilespmem:s30], [sflag:$0x4], $0x80, $0x38;
	[tilespmem:$0x1BE00] =	vst v63  }
0x1b1: {  	s28 =	sadd.s32 $0x1, s28  }
0x1b2: {  	_ =	swait.ge [sflag:s25], $0x2000;
	p0 =	sne.s32 s28, s10  }
.Ltmp5:
0x1b3: {  	[sflag:s25] =	ssyncset.done $0x0;
	(pc) =	sbr.rel @p0 .LBB2_1-.Ltmp5, $4  }
0x1b4: {  	[sflag:s25] =	ssyncadd.s32 $0xFFFFE000  }
0x1b5: {  	_ =	swait.ge [sflag:s26], $0x2000  }
0x1b6: {  	[sflag:s26] =	ssyncset.done $0x0  }
0x1b7: {  	[sflag:s26] =	ssyncadd.s32 $0xFFFFE000  }
0x1b8: {  	_ =	sfence.sel $0x180000  }
0x1b9: {  	[bflag:$0x0] =	sbarrier.arrive $0xFFFF  }
0x1ba: {  	_ =	strace $0x90000047  }
0x1bb: {  	s0 =	stileid.u32;
	[bflag:$0x2] =	sbarrier.arrive $0xFFFF  }
0x1bc: {  	p0 =	sne.s32 s0, $0x0;
	s0 =	rddreg [dreg:$0x4]  }
0x1bd: {  	s0 =	sadd.s32 @!p0 $0x100000, s0  }
0x1be: {  	[sflag:s0] =	ssyncadd.tile.s32 @!p0 $0x1;
	_ =	shalt  }
.Lfunc_end2:
_tile_overlayer_lowered:
.L_overlay_start_2:
0x1bf: {  	(tag) =	ssettag $0x2  }
0x1c0: {  	s0 =	rddreg [dreg:$0x0];
	s2 =	stileid.u32  }
0x1c1: {  	s1 =	rddreg [dreg:$0x1];
	p0 =	sne.s32 s2, $0x0  }
0x1c2: {  	s3 =	rddreg [dreg:$0x2];
	[bflag:$0x3] =	sbarrier.arrive $0xFFFF;
	s2 =	simm.s32 @!p0 $0x1C05  }
0x1c3: {  	[timem:s3], [sflag:s2] =	dma.local @!p0 [hbm:s0], s1  }
0x1c4: {  	s0 =	simm.s32 @!p0 $0x5  }
0x1c5: {  	_ =	swait.ge @!p0 [sflag:s0], s1  }
0x1c6: {  	s1 =	ssub.s32 @!p0 $0x0, s1;
	[sflag:s0] =	ssyncset.done @!p0 $0x0  }
0x1c7: {  	[sflag:s0] =	ssyncadd.s32 @!p0 s1  }
0x1c8: {  	[bflag:$0x3] =	sbarrier.arrive $0xFFFF  }
0x1c9: {  	_ =	shalt  }

</sc_bundles>
